<compile_context>
chip_gen: v7x
topology: tpu7x:2x2x1
jax: 0.10.2.dev20260603
libtpu: 0.0.44.dev20260713+nightly
codegen_flags: <defaults>
</compile_context>

<pallas_src>
import functools

import jax
import jax.numpy as jnp
from jax import lax
from jax.experimental import pallas as pl
from jax.experimental.pallas import tpu as pltpu
from jax.experimental.pallas import tpu_sc as plsc

_N = 10000
_E = 320000
_H = 128
_G = 128
_ED = 16
_OUT = 32

_NC = 2
_NS = 16
_NW = _NC * _NS
_K = 128
_CH = 79
_EPAD = _NW * _CH * _K
_NACC = 10112
_ZR = _NACC // _NS
_BR = 2000


def _sc_mesh():
    return plsc.VectorSubcoreMesh(
        core_axis_name="c", subcore_axis_name="s",
        num_cores=_NC, num_subcores=_NS)


def _deg_body(col_hbm, out_hbm, col_v, hist):
    cid = lax.axis_index("c")
    sid = lax.axis_index("s")
    wid = cid * _NS + sid
    pltpu.sync_copy(col_hbm.at[wid], col_v)
    zero16 = jnp.zeros((16,), jnp.float32)
    one16 = jnp.ones((16,), jnp.float32)

    def zbody(i, c):
        hist[pl.ds(i * 16, 16)] = zero16
        return c

    lax.fori_loop(0, _NACC // 16, zbody, 0)

    def body(j, c):
        def inner(k, c2):
            idx = col_v[j, pl.ds(k * 16, 16)]
            plsc.addupdate_scatter(hist, [idx], one16)
            return c2

        lax.fori_loop(0, _K // 16, inner, 0)
        return c

    lax.fori_loop(0, _CH, body, 0)
    pltpu.sync_copy(hist, out_hbm.at[wid])


@functools.cache
def _deg_pass():
    return pl.kernel(
        _deg_body,
        out_type=jax.ShapeDtypeStruct((_NW, _NACC), jnp.float32),
        mesh=_sc_mesh(),
        compiler_params=pltpu.CompilerParams(needs_layout_passes=False),
        scratch_types=[
            pltpu.VMEM((_CH, _K), jnp.int32),
            pltpu.VMEM((_NACC,), jnp.float32),
        ],
    )


def _edge_body(z_hbm, row_hbm, col_hbm, zero_hbm, out_hbm,
               row_v, col_v, buf, acc, sem):
    cid = lax.axis_index("c")
    sid = lax.axis_index("s")
    wid = cid * _NS + sid
    pltpu.sync_copy(zero_hbm, acc.at[pl.ds(sid * _ZR, _ZR)])
    pltpu.sync_copy(row_hbm.at[wid], row_v)
    pltpu.sync_copy(col_hbm.at[wid], col_v)
    plsc.subcore_barrier()

    def body(j, carry):
        pltpu.async_copy(z_hbm.at[row_v.at[j]], buf, sem).wait()
        pltpu.sync_copy(buf, acc.at[col_v.at[j]], add=True)
        return carry

    lax.fori_loop(0, _CH, body, 0)
    plsc.subcore_barrier()
    pltpu.sync_copy(acc.at[pl.ds(sid * _ZR, _ZR)],
                    out_hbm.at[cid].at[pl.ds(sid * _ZR, _ZR)])


@functools.cache
def _edge_pass():
    return pl.kernel(
        _edge_body,
        out_type=jax.ShapeDtypeStruct((_NC, _NACC, _H), jnp.float32),
        mesh=_sc_mesh(),
        scratch_types=[
            pltpu.VMEM((_CH, _K), jnp.int32),
            pltpu.VMEM((_CH, _K), jnp.int32),
            pltpu.VMEM((_K, _H), jnp.float32),
            pltpu.VMEM_SHARED((_NACC, _H), jnp.float32),
            pltpu.SemaphoreType.DMA,
        ],
    )


def _prep_body(x_ref, w_ref, d_ref, z_ref, dis_ref):
    deg = jnp.sum(d_ref[...], axis=1, keepdims=True) + 1.0
    dis = lax.rsqrt(deg)
    xw = jnp.dot(x_ref[...], w_ref[...], preferred_element_type=jnp.float32)
    z_ref[...] = xw * dis
    dis_ref[...] = jnp.broadcast_to(dis, (_BR, _H))


_prep = pl.pallas_call(
    _prep_body,
    grid=(_N // _BR,),
    in_specs=[
        pl.BlockSpec((_BR, _H), lambda i: (i, 0)),
        pl.BlockSpec((_H, _H), lambda i: (0, 0)),
        pl.BlockSpec((_BR, _NW), lambda i: (i, 0)),
    ],
    out_specs=[
        pl.BlockSpec((_BR, _H), lambda i: (i, 0)),
        pl.BlockSpec((_BR, _H), lambda i: (i, 0)),
    ],
    out_shape=[
        jax.ShapeDtypeStruct((_N, _H), jnp.float32),
        jax.ShapeDtypeStruct((_N, _H), jnp.float32),
    ],
)


def _fuse_body(p_ref, z_ref, dis_ref, b_ref, w_ref, zn_ref):
    x = jnp.maximum(
        dis_ref[...] * (p_ref[0] + p_ref[1] + z_ref[...]) + b_ref[...], 0.0)
    zn_ref[...] = jnp.dot(
        x, w_ref[...], preferred_element_type=jnp.float32) * dis_ref[...]


_fuse = pl.pallas_call(
    _fuse_body,
    grid=(_N // _BR,),
    in_specs=[
        pl.BlockSpec((_NC, _BR, _H), lambda i: (0, i, 0)),
        pl.BlockSpec((_BR, _H), lambda i: (i, 0)),
        pl.BlockSpec((_BR, _H), lambda i: (i, 0)),
        pl.BlockSpec((1, _H), lambda i: (0, 0)),
        pl.BlockSpec((_H, _H), lambda i: (0, 0)),
    ],
    out_specs=pl.BlockSpec((_BR, _H), lambda i: (i, 0)),
    out_shape=jax.ShapeDtypeStruct((_N, _H), jnp.float32),
)


def _emean_body(ea_ref, o_ref):
    o_ref[...] = jnp.sum(ea_ref[...], axis=0, keepdims=True)[None]


_emean = pl.pallas_call(
    _emean_body,
    grid=(8,),
    in_specs=[pl.BlockSpec((_E * _ED // 128 // 8, 128), lambda i: (i, 0))],
    out_specs=pl.BlockSpec((1, 1, 128), lambda i: (i, 0, 0)),
    out_shape=jax.ShapeDtypeStruct((8, 1, 128), jnp.float32),
)


_CPOOL = 256
_NPAD = _N + _CPOOL


def _head_body(p_ref, z_ref, dis_ref, b2_ref, em_ref, we_ref, be_ref,
               batch_ref, bbuf_ref, wl1_ref, bl1_ref, wl2_ref, bl2_ref,
               o_ref, xbuf):
    s128 = jnp.sum(em_ref[...], axis=0)
    m16 = s128[0:16]
    for j in range(1, 8):
        m16 = m16 + s128[j * 16:(j + 1) * 16]
    m16 = m16 * (1.0 / _E)
    mef = jnp.sum(we_ref[...] * m16[:, None], axis=0) + be_ref[0]
    mef2 = mef[None, :]

    for i in range(_N // _BR):
        sl = pl.ds(i * _BR, _BR)
        xb = jnp.maximum(
            dis_ref[sl] * (p_ref[0, sl] + p_ref[1, sl] + z_ref[sl])
            + b2_ref[...], 0.0) + mef2
        xbuf[sl] = xb

    batv = batch_ref[...]
    neg = jnp.float32(-3.0e38)
    gi = lax.broadcasted_iota(jnp.int32, (_G, 1), 0)

    def gbody(g, carry):
        start, pooled = carry
        cnt = jnp.sum(jnp.where(batv == g, 1, 0))
        end = start + cnt

        def cond(st):
            return st[0] < end

        def cbody(st):
            off, mx, sm = st
            offh = pl.multiple_of(off, _CPOOL)
            chunk = xbuf[pl.ds(offh, _CPOOL)]
            m = bbuf_ref[pl.ds(offh, _CPOOL)] == g
            mx = jnp.maximum(mx, jnp.where(m, chunk, neg))
            sm = sm + jnp.where(m, chunk, 0.0)
            return (off + _CPOOL, mx, sm)

        st0 = ((start // _CPOOL) * _CPOOL,
               jnp.full((_CPOOL, _H), neg, jnp.float32),
               jnp.zeros((_CPOOL, _H), jnp.float32))
        _, mx, sm = lax.while_loop(cond, cbody, st0)
        mxr = jnp.max(mx, axis=0, keepdims=True)
        smr = jnp.sum(sm, axis=0, keepdims=True)
        mxr = jnp.where(cnt > 0, mxr, 0.0)
        mnr = smr / jnp.maximum(cnt.astype(jnp.float32), 1.0)
        row = jnp.concatenate([mxr, mnr], axis=1)
        pooled = jnp.where(gi == g, row, pooled)
        return (end, pooled)

    _, pooled = lax.fori_loop(
        0, _G, gbody,
        (jnp.int32(0), jnp.zeros((_G, 2 * _H), jnp.float32)))

    h = jnp.maximum(
        jnp.dot(pooled, wl1_ref[...], preferred_element_type=jnp.float32)
        + bl1_ref[...], 0.0)
    o_ref[...] = jnp.dot(
        h, wl2_ref[...], preferred_element_type=jnp.float32) + bl2_ref[...]


_head = pl.pallas_call(
    _head_body,
    out_shape=jax.ShapeDtypeStruct((_G, _OUT), jnp.float32),
    scratch_shapes=[
        pltpu.VMEM((_NPAD, _H), jnp.float32),
    ],
)


def kernel(x, edge_index, edge_attr, batch,
           Wc0, bc0, Wc1, bc1, Wc2, bc2, We, be, Wl1, bl1, Wl2, bl2):
    pad = _EPAD - _E
    rowp = jnp.concatenate(
        [edge_index[0], jnp.zeros((pad,), jnp.int32)]).reshape(_NW, _CH, _K)
    colp = jnp.concatenate(
        [edge_index[1],
         _N + jnp.arange(pad, dtype=jnp.int32) % (_NACC - _N)]
    ).reshape(_NW, _CH, _K)
    zeroH = jnp.zeros((_ZR, _H), jnp.float32)
    ea2d = edge_attr.reshape(_E * _ED // 128, 128)
    batch2d = batch.reshape(80, 125)
    bpad = jnp.concatenate([batch, jnp.full((_NPAD - _N,), _G, jnp.int32)])
    bbuf2d = jnp.broadcast_to(bpad[:, None], (_NPAD, _H))

    d = _deg_pass()(colp).T
    z0, disb = _prep(x, Wc0, d)
    s0 = _edge_pass()(z0, rowp, colp, zeroH)
    z1 = _fuse(s0, z0, disb, bc0.reshape(1, _H), Wc1)
    s1 = _edge_pass()(z1, rowp, colp, zeroH)
    z2 = _fuse(s1, z1, disb, bc1.reshape(1, _H), Wc2)
    s2 = _edge_pass()(z2, rowp, colp, zeroH)
    em8 = _emean(ea2d).reshape(8, 128)
    out = _head(s2, z2, disb, bc2.reshape(1, _H), em8, We,
                be.reshape(1, _H), batch2d, bbuf2d,
                Wl1, bl1.reshape(1, _H // 2), Wl2, bl2.reshape(1, _OUT))
    return out

# --- scband reference (transcript-rebuilt; emitter-appended) ---
"""Pipeline reference for scband-gcnmodel-76055280877748 (READ-ONLY COPY).

The authoritative reference and input builder live on the scoring server;
editing this copy changes nothing except your own understanding.
"""

import jax, jax.numpy as jnp
import numpy as np

N = 10000
E = 320000
F_IN = 128
H = 128
OUT = 32
ED = 16
G = 128


def setup_inputs(seed: int = 0) -> dict:
    key = jax.random.key(seed)
    ks = jax.random.split(key, 20)
    x = jax.random.normal(ks[0], (N, F_IN), dtype=jnp.float32)
    edge_index = jax.random.randint(ks[1], (2, E), 0, N, dtype=jnp.int32)
    edge_attr = jax.random.normal(ks[2], (E, ED), dtype=jnp.float32)
    batch = jnp.sort(jax.random.randint(ks[3], (N,), 0, G, dtype=jnp.int32))
    def lin(k, fan_in, fan_out):
        bound = 1.0 / np.sqrt(fan_in)
        kw, kb = jax.random.split(k)
        W = jax.random.uniform(kw, (fan_in, fan_out), jnp.float32, -bound, bound)
        b = jax.random.uniform(kb, (fan_out,), jnp.float32, -bound, bound)
        return W, b
    Wc0, bc0 = lin(ks[4], F_IN, H)
    Wc1, bc1 = lin(ks[5], H, H)
    Wc2, bc2 = lin(ks[6], H, H)
    We, be = lin(ks[7], ED, H)
    Wl1, bl1 = lin(ks[8], 2 * H, H // 2)
    Wl2, bl2 = lin(ks[9], H // 2, OUT)
    return {"x": x, "edge_index": edge_index, "edge_attr": edge_attr, "batch": batch,
            "Wc0": Wc0, "bc0": bc0, "Wc1": Wc1, "bc1": bc1, "Wc2": Wc2, "bc2": bc2,
            "We": We, "be": be, "Wl1": Wl1, "bl1": bl1, "Wl2": Wl2, "bl2": bl2}


def _gcn_conv(x, edge_index, W, b, n):
    # PyG GCNConv: add self-loops, symmetric normalization, scatter-add aggregation
    sl = jnp.arange(n, dtype=edge_index.dtype)
    row = jnp.concatenate([edge_index[0], sl])  # source
    col = jnp.concatenate([edge_index[1], sl])  # target
    deg = jax.ops.segment_sum(jnp.ones_like(col, dtype=x.dtype), col, num_segments=n)
    dis = jnp.where(deg > 0, deg ** -0.5, 0.0)
    norm = dis[row] * dis[col]
    xw = x @ W
    msg = xw[row] * norm[:, None]
    out = jax.ops.segment_sum(msg, col, num_segments=n)
    return out + b


def reference(x, edge_index, edge_attr, batch, Wc0, bc0, Wc1, bc1, Wc2, bc2, We, be, Wl1, bl1, Wl2, bl2):
    edge_features = edge_attr @ We + be
    x = jax.nn.relu(_gcn_conv(x, edge_index, Wc0, bc0, N))
    x = jax.nn.relu(_gcn_conv(x, edge_index, Wc1, bc1, N))
    x = jax.nn.relu(_gcn_conv(x, edge_index, Wc2, bc2, N))
    x = x + jnp.mean(edge_features, axis=0)
    counts = jax.ops.segment_sum(jnp.ones((N,), dtype=x.dtype), batch, num_segments=G)
    mx = jax.ops.segment_max(x, batch, num_segments=G)
    mx = jnp.where(counts[:, None] > 0, mx, 0.0)
    mean = jax.ops.segment_sum(x, batch, num_segments=G) / jnp.maximum(counts, 1.0)[:, None]
    pooled = jnp.concatenate([mx, mean], axis=1)
    h = jax.nn.relu(pooled @ Wl1 + bl1)
    # dropout is identity in eval mode
    out = h @ Wl2 + bl2
    return out

if __name__ == "__main__":
    import jax
    _d = setup_inputs()
    print(jax.jit(kernel)(*tuple(_d.values())))

</pallas_src>

<mosaic_0001>
#map = affine_map<(d0, d1) -> (0, 0, 0)>
#map1 = affine_map<(d0, d1) -> (0, 0)>
module attributes {stable_mosaic.version = 14 : i64} {
  func.func @_deg_body(%arg0: i32, %arg1: i32, %arg2: memref<32x79x128xi32, #tpu.memory_space<hbm>>, %arg3: memref<32x10112xf32, #tpu.memory_space<hbm>>, %arg4: memref<79x128xi32, #tpu.memory_space<vmem>>, %arg5: memref<10112xf32, #tpu.memory_space<vmem>>) attributes {dimension_semantics = [#tpu.dimension_semantics<core_parallel>, #tpu.dimension_semantics<subcore_parallel>], iteration_bounds = array<i64: 2, 16>, scalar_prefetch = 0 : i64, scratch_operands = 2 : i64, tpu.core_type = #tpu.core_type<sc_vector_subcore>, window_params = [{transform_indices = #map}, {transform_indices = #map1}]} {
    %mul3A = arith.constant 16 : i32
    %mul3A_0 = arith.muli %arg0, %mul3A : i32
    %add3A = arith.addi %mul3A_0, %arg1 : i32
    "tpu.region"() ({
      %run_scoped3A = tpu.sem_alloc : memref<!tpu.dma_semaphore, #tpu.memory_space<semaphore_mem>>
      %dma_start3A = arith.constant 0 : i32
      %dma_start3A_15 = arith.constant 0 : i32
      %dma_start3A_16 = tpu.memref_slice %arg2[%add3A, %dma_start3A, %dma_start3A_15] : memref<32x79x128xi32, #tpu.memory_space<hbm>> -> memref<1x79x128xi32, #tpu.memory_space<hbm>>
      %dma_start3A_17 = tpu.memref_squeeze %dma_start3A_16 : memref<1x79x128xi32, #tpu.memory_space<hbm>> -> memref<79x128xi32, #tpu.memory_space<hbm>>
      %dma_start3A_18 = arith.constant 0 : i32
      %dma_start3A_19 = arith.constant 0 : i32
      %dma_start3A_20 = tpu.memref_slice %arg2[%add3A, %dma_start3A_18, %dma_start3A_19] : memref<32x79x128xi32, #tpu.memory_space<hbm>> -> memref<1x79x128xi32, #tpu.memory_space<hbm>>
      %dma_start3A_21 = tpu.memref_squeeze %dma_start3A_20 : memref<1x79x128xi32, #tpu.memory_space<hbm>> -> memref<79x128xi32, #tpu.memory_space<hbm>>
      tpu.enqueue_dma source(%dma_start3A_21 : memref<79x128xi32, #tpu.memory_space<hbm>>) target(%arg4 : memref<79x128xi32, #tpu.memory_space<vmem>>) target_semaphore(%run_scoped3A : memref<!tpu.dma_semaphore, #tpu.memory_space<semaphore_mem>>)
      %dma_wait3A = arith.constant 0 : i32
      %dma_wait3A_22 = arith.constant 0 : i32
      %dma_wait3A_23 = tpu.memref_slice %arg2[%add3A, %dma_wait3A, %dma_wait3A_22] : memref<32x79x128xi32, #tpu.memory_space<hbm>> -> memref<1x79x128xi32, #tpu.memory_space<hbm>>
      %dma_wait3A_24 = tpu.memref_squeeze %dma_wait3A_23 : memref<1x79x128xi32, #tpu.memory_space<hbm>> -> memref<79x128xi32, #tpu.memory_space<hbm>>
      %dma_wait3A_25 = arith.constant 0 : i32
      %dma_wait3A_26 = arith.constant 0 : i32
      %dma_wait3A_27 = tpu.memref_slice %arg2[%add3A, %dma_wait3A_25, %dma_wait3A_26] : memref<32x79x128xi32, #tpu.memory_space<hbm>> -> memref<1x79x128xi32, #tpu.memory_space<hbm>>
      %dma_wait3A_28 = tpu.memref_squeeze %dma_wait3A_27 : memref<1x79x128xi32, #tpu.memory_space<hbm>> -> memref<79x128xi32, #tpu.memory_space<hbm>>
      tpu.wait_dma2 semaphore(%run_scoped3A : memref<!tpu.dma_semaphore, #tpu.memory_space<semaphore_mem>>) src(%dma_wait3A_28 : memref<79x128xi32, #tpu.memory_space<hbm>>) dst(%arg4 : memref<79x128xi32, #tpu.memory_space<vmem>>)
      tpu.yield
    }) : () -> ()
    %broadcast_in_dim3A = arith.constant 0.000000e+00 : f32
    %broadcast_in_dim3A_1 = vector.broadcast %broadcast_in_dim3A : f32 to vector<16xf32>
    %broadcast_in_dim3A_2 = arith.constant 1.000000e+00 : f32
    %broadcast_in_dim3A_3 = vector.broadcast %broadcast_in_dim3A_2 : f32 to vector<16xf32>
    %scan3A = arith.constant 0 : i32
    %scan3A_4 = arith.constant 0 : i32
    %scan3A_5 = arith.constant 632 : i32
    %scan3A_6 = arith.addi %scan3A_4, %scan3A_5 : i32
    %scan3A_7 = arith.constant 1 : i32
    scf.for %scan3A_15 = %scan3A_4 to %scan3A_6 step %scan3A_7  : i32 {
      %mul3A_16 = arith.constant 16 : i32
      %mul3A_17 = arith.muli %scan3A_15, %mul3A_16 : i32
      %swap3A = arith.index_cast %mul3A_17 : i32 to index
      %swap3A_18 = tpu.vector_load %arg5[%swap3A] {strides = array<i32>} : memref<10112xf32, #tpu.memory_space<vmem>>, vector<16xf32>,
      tpu.vector_store %arg5[%swap3A], %broadcast_in_dim3A_1 {strides = array<i32>} : memref<10112xf32, #tpu.memory_space<vmem>>, vector<16xf32>,
    }
    %scan3A_8 = arith.constant 632 : i32
    %scan3A_9 = arith.constant 0 : i32
    %scan3A_10 = arith.constant 0 : i32
    %scan3A_11 = arith.constant 79 : i32
    %scan3A_12 = arith.addi %scan3A_10, %scan3A_11 : i32
    %scan3A_13 = arith.constant 1 : i32
    scf.for %scan3A_15 = %scan3A_10 to %scan3A_12 step %scan3A_13  : i32 {
      %scan3A_16 = arith.constant 0 : i32
      %scan3A_17 = arith.constant 0 : i32
      %scan3A_18 = arith.constant 8 : i32
      %scan3A_19 = arith.addi %scan3A_17, %scan3A_18 : i32
      %scan3A_20 = arith.constant 1 : i32
      scf.for %scan3A_22 = %scan3A_17 to %scan3A_19 step %scan3A_20  : i32 {
        %mul3A_23 = arith.constant 16 : i32
        %mul3A_24 = arith.muli %scan3A_22, %mul3A_23 : i32
        %get3A = arith.index_cast %scan3A_15 : i32 to index
        %get3A_25 = arith.index_cast %mul3A_24 : i32 to index
        %get3A_26 = tpu.vector_load %arg4[%get3A, %get3A_25] {strides = array<i32>} : memref<79x128xi32, #tpu.memory_space<vmem>>, vector<16xi32>,
        tpu.vector_store_idx %arg5[%get3A_26], %broadcast_in_dim3A_3 {add = true} : memref<10112xf32, #tpu.memory_space<vmem>>[vector<16xi32>], vector<16xf32>,
      }
      %scan3A_21 = arith.constant 8 : i32
    }
    %scan3A_14 = arith.constant 79 : i32
    "tpu.region"() ({
      %run_scoped3A = tpu.sem_alloc : memref<!tpu.dma_semaphore, #tpu.memory_space<semaphore_mem>>
      %dma_start3A = arith.constant 0 : i32
      %dma_start3A_15 = tpu.memref_slice %arg3[%add3A, %dma_start3A] : memref<32x10112xf32, #tpu.memory_space<hbm>> -> memref<1x10112xf32, #tpu.memory_space<hbm>>
      %dma_start3A_16 = tpu.memref_squeeze %dma_start3A_15 : memref<1x10112xf32, #tpu.memory_space<hbm>> -> memref<10112xf32, #tpu.memory_space<hbm>>
      %dma_start3A_17 = arith.constant 0 : i32
      %dma_start3A_18 = tpu.memref_slice %arg3[%add3A, %dma_start3A_17] : memref<32x10112xf32, #tpu.memory_space<hbm>> -> memref<1x10112xf32, #tpu.memory_space<hbm>>
      %dma_start3A_19 = tpu.memref_squeeze %dma_start3A_18 : memref<1x10112xf32, #tpu.memory_space<hbm>> -> memref<10112xf32, #tpu.memory_space<hbm>>
      tpu.enqueue_dma source(%arg5 : memref<10112xf32, #tpu.memory_space<vmem>>) target(%dma_start3A_19 : memref<10112xf32, #tpu.memory_space<hbm>>) target_semaphore(%run_scoped3A : memref<!tpu.dma_semaphore, #tpu.memory_space<semaphore_mem>>)
      %dma_wait3A = arith.constant 0 : i32
      %dma_wait3A_20 = tpu.memref_slice %arg3[%add3A, %dma_wait3A] : memref<32x10112xf32, #tpu.memory_space<hbm>> -> memref<1x10112xf32, #tpu.memory_space<hbm>>
      %dma_wait3A_21 = tpu.memref_squeeze %dma_wait3A_20 : memref<1x10112xf32, #tpu.memory_space<hbm>> -> memref<10112xf32, #tpu.memory_space<hbm>>
      %dma_wait3A_22 = arith.constant 0 : i32
      %dma_wait3A_23 = tpu.memref_slice %arg3[%add3A, %dma_wait3A_22] : memref<32x10112xf32, #tpu.memory_space<hbm>> -> memref<1x10112xf32, #tpu.memory_space<hbm>>
      %dma_wait3A_24 = tpu.memref_squeeze %dma_wait3A_23 : memref<1x10112xf32, #tpu.memory_space<hbm>> -> memref<10112xf32, #tpu.memory_space<hbm>>
      tpu.wait_dma2 semaphore(%run_scoped3A : memref<!tpu.dma_semaphore, #tpu.memory_space<semaphore_mem>>) src(%arg5 : memref<10112xf32, #tpu.memory_space<vmem>>) dst(%dma_wait3A_24 : memref<10112xf32, #tpu.memory_space<hbm>>)
      tpu.yield
    }) : () -> ()
    return
  }
}

#map = affine_map<(d0, d1) -> (0, 0)>
#map1 = affine_map<(d0, d1) -> (0, 0, 0)>
module attributes {stable_mosaic.version = 14 : i64} {
  func.func @_edge_body(%arg0: i32, %arg1: i32, %arg2: memref<10000x128xf32, #tpu.memory_space<hbm>>, %arg3: memref<32x79x128xi32, #tpu.memory_space<hbm>>, %arg4: memref<32x79x128xi32, #tpu.memory_space<hbm>>, %arg5: memref<632x128xf32, #tpu.memory_space<hbm>>, %arg6: memref<2x10112x128xf32, #tpu.memory_space<hbm>>, %arg7: memref<79x128xi32, #tpu.memory_space<vmem>>, %arg8: memref<79x128xi32, #tpu.memory_space<vmem>>, %arg9: memref<128x128xf32, #tpu.memory_space<vmem>>, %arg10: memref<10112x128xf32, #tpu.memory_space<vmem_shared>>, %arg11: memref<!tpu.dma_semaphore, #tpu.memory_space<semaphore_mem>>) attributes {dimension_semantics = [#tpu.dimension_semantics<core_parallel>, #tpu.dimension_semantics<subcore_parallel>], iteration_bounds = array<i64: 2, 16>, scalar_prefetch = 0 : i64, scratch_operands = 5 : i64, tpu.core_type = #tpu.core_type<sc_vector_subcore>, window_params = [{transform_indices = #map}, {transform_indices = #map1}, {transform_indices = #map1}, {transform_indices = #map}, {transform_indices = #map1}]} {
    %mul3A = arith.constant 16 : i32
    %mul3A_0 = arith.muli %arg0, %mul3A : i32
    %add3A = arith.addi %mul3A_0, %arg1 : i32
    %mul3A_1 = arith.constant 632 : i32
    %mul3A_2 = arith.muli %arg1, %mul3A_1 : i32
    "tpu.region"() ({
      %run_scoped3A = tpu.sem_alloc : memref<!tpu.dma_semaphore, #tpu.memory_space<semaphore_mem>>
      %dma_start3A = arith.constant 0 : i32
      %dma_start3A_13 = tpu.memref_slice %arg10[%mul3A_2, %dma_start3A] : memref<10112x128xf32, #tpu.memory_space<vmem_shared>> -> memref<632x128xf32, #tpu.memory_space<vmem_shared>>
      tpu.enqueue_dma source(%arg5 : memref<632x128xf32, #tpu.memory_space<hbm>>) target(%dma_start3A_13 : memref<632x128xf32, #tpu.memory_space<vmem_shared>>) target_semaphore(%run_scoped3A : memref<!tpu.dma_semaphore, #tpu.memory_space<semaphore_mem>>)
      %dma_wait3A = arith.constant 0 : i32
      %dma_wait3A_14 = tpu.memref_slice %arg10[%mul3A_2, %dma_wait3A] : memref<10112x128xf32, #tpu.memory_space<vmem_shared>> -> memref<632x128xf32, #tpu.memory_space<vmem_shared>>
      tpu.wait_dma2 semaphore(%run_scoped3A : memref<!tpu.dma_semaphore, #tpu.memory_space<semaphore_mem>>) src(%arg5 : memref<632x128xf32, #tpu.memory_space<hbm>>) dst(%dma_wait3A_14 : memref<632x128xf32, #tpu.memory_space<vmem_shared>>)
      tpu.yield
    }) : () -> ()
    "tpu.region"() ({
      %run_scoped3A = tpu.sem_alloc : memref<!tpu.dma_semaphore, #tpu.memory_space<semaphore_mem>>
      %dma_start3A = arith.constant 0 : i32
      %dma_start3A_13 = arith.constant 0 : i32
      %dma_start3A_14 = tpu.memref_slice %arg3[%add3A, %dma_start3A, %dma_start3A_13] : memref<32x79x128xi32, #tpu.memory_space<hbm>> -> memref<1x79x128xi32, #tpu.memory_space<hbm>>
      %dma_start3A_15 = tpu.memref_squeeze %dma_start3A_14 : memref<1x79x128xi32, #tpu.memory_space<hbm>> -> memref<79x128xi32, #tpu.memory_space<hbm>>
      %dma_start3A_16 = arith.constant 0 : i32
      %dma_start3A_17 = arith.constant 0 : i32
      %dma_start3A_18 = tpu.memref_slice %arg3[%add3A, %dma_start3A_16, %dma_start3A_17] : memref<32x79x128xi32, #tpu.memory_space<hbm>> -> memref<1x79x128xi32, #tpu.memory_space<hbm>>
      %dma_start3A_19 = tpu.memref_squeeze %dma_start3A_18 : memref<1x79x128xi32, #tpu.memory_space<hbm>> -> memref<79x128xi32, #tpu.memory_space<hbm>>
      tpu.enqueue_dma source(%dma_start3A_19 : memref<79x128xi32, #tpu.memory_space<hbm>>) target(%arg7 : memref<79x128xi32, #tpu.memory_space<vmem>>) target_semaphore(%run_scoped3A : memref<!tpu.dma_semaphore, #tpu.memory_space<semaphore_mem>>)
      %dma_wait3A = arith.constant 0 : i32
      %dma_wait3A_20 = arith.constant 0 : i32
      %dma_wait3A_21 = tpu.memref_slice %arg3[%add3A, %dma_wait3A, %dma_wait3A_20] : memref<32x79x128xi32, #tpu.memory_space<hbm>> -> memref<1x79x128xi32, #tpu.memory_space<hbm>>
      %dma_wait3A_22 = tpu.memref_squeeze %dma_wait3A_21 : memref<1x79x128xi32, #tpu.memory_space<hbm>> -> memref<79x128xi32, #tpu.memory_space<hbm>>
      %dma_wait3A_23 = arith.constant 0 : i32
      %dma_wait3A_24 = arith.constant 0 : i32
      %dma_wait3A_25 = tpu.memref_slice %arg3[%add3A, %dma_wait3A_23, %dma_wait3A_24] : memref<32x79x128xi32, #tpu.memory_space<hbm>> -> memref<1x79x128xi32, #tpu.memory_space<hbm>>
      %dma_wait3A_26 = tpu.memref_squeeze %dma_wait3A_25 : memref<1x79x128xi32, #tpu.memory_space<hbm>> -> memref<79x128xi32, #tpu.memory_space<hbm>>
      tpu.wait_dma2 semaphore(%run_scoped3A : memref<!tpu.dma_semaphore, #tpu.memory_space<semaphore_mem>>) src(%dma_wait3A_26 : memref<79x128xi32, #tpu.memory_space<hbm>>) dst(%arg7 : memref<79x128xi32, #tpu.memory_space<vmem>>)
      tpu.yield
    }) : () -> ()
    "tpu.region"() ({
      %run_scoped3A = tpu.sem_alloc : memref<!tpu.dma_semaphore, #tpu.memory_space<semaphore_mem>>
      %dma_start3A = arith.constant 0 : i32
      %dma_start3A_13 = arith.constant 0 : i32
      %dma_start3A_14 = tpu.memref_slice %arg4[%add3A, %dma_start3A, %dma_start3A_13] : memref<32x79x128xi32, #tpu.memory_space<hbm>> -> memref<1x79x128xi32, #tpu.memory_space<hbm>>
      %dma_start3A_15 = tpu.memref_squeeze %dma_start3A_14 : memref<1x79x128xi32, #tpu.memory_space<hbm>> -> memref<79x128xi32, #tpu.memory_space<hbm>>
      %dma_start3A_16 = arith.constant 0 : i32
      %dma_start3A_17 = arith.constant 0 : i32
      %dma_start3A_18 = tpu.memref_slice %arg4[%add3A, %dma_start3A_16, %dma_start3A_17] : memref<32x79x128xi32, #tpu.memory_space<hbm>> -> memref<1x79x128xi32, #tpu.memory_space<hbm>>
      %dma_start3A_19 = tpu.memref_squeeze %dma_start3A_18 : memref<1x79x128xi32, #tpu.memory_space<hbm>> -> memref<79x128xi32, #tpu.memory_space<hbm>>
      tpu.enqueue_dma source(%dma_start3A_19 : memref<79x128xi32, #tpu.memory_space<hbm>>) target(%arg8 : memref<79x128xi32, #tpu.memory_space<vmem>>) target_semaphore(%run_scoped3A : memref<!tpu.dma_semaphore, #tpu.memory_space<semaphore_mem>>)
      %dma_wait3A = arith.constant 0 : i32
      %dma_wait3A_20 = arith.constant 0 : i32
      %dma_wait3A_21 = tpu.memref_slice %arg4[%add3A, %dma_wait3A, %dma_wait3A_20] : memref<32x79x128xi32, #tpu.memory_space<hbm>> -> memref<1x79x128xi32, #tpu.memory_space<hbm>>
      %dma_wait3A_22 = tpu.memref_squeeze %dma_wait3A_21 : memref<1x79x128xi32, #tpu.memory_space<hbm>> -> memref<79x128xi32, #tpu.memory_space<hbm>>
      %dma_wait3A_23 = arith.constant 0 : i32
      %dma_wait3A_24 = arith.constant 0 : i32
      %dma_wait3A_25 = tpu.memref_slice %arg4[%add3A, %dma_wait3A_23, %dma_wait3A_24] : memref<32x79x128xi32, #tpu.memory_space<hbm>> -> memref<1x79x128xi32, #tpu.memory_space<hbm>>
      %dma_wait3A_26 = tpu.memref_squeeze %dma_wait3A_25 : memref<1x79x128xi32, #tpu.memory_space<hbm>> -> memref<79x128xi32, #tpu.memory_space<hbm>>
      tpu.wait_dma2 semaphore(%run_scoped3A : memref<!tpu.dma_semaphore, #tpu.memory_space<semaphore_mem>>) src(%dma_wait3A_26 : memref<79x128xi32, #tpu.memory_space<hbm>>) dst(%arg8 : memref<79x128xi32, #tpu.memory_space<vmem>>)
      tpu.yield
    }) : () -> ()
    %barrier3A = arith.constant 0 : index
    tpu.barrier barrier_id(%barrier3A)
    %scan3A = arith.constant 0 : i32
    %scan3A_3 = arith.constant 0 : i32
    %scan3A_4 = arith.constant 79 : i32
    %scan3A_5 = arith.addi %scan3A_3, %scan3A_4 : i32
    %scan3A_6 = arith.constant 1 : i32
    scf.for %scan3A_13 = %scan3A_3 to %scan3A_5 step %scan3A_6  : i32 {
      %dma_start3A = arith.constant 0 : i32
      %dma_start3A_14 = tpu.memref_slice %arg7[%scan3A_13, %dma_start3A] : memref<79x128xi32, #tpu.memory_space<vmem>> -> memref<1x128xi32, #tpu.memory_space<vmem>>
      %dma_start3A_15 = tpu.memref_squeeze %dma_start3A_14 : memref<1x128xi32, #tpu.memory_space<vmem>> -> memref<128xi32, #tpu.memory_space<vmem>>
      %dma_start3A_16 = arith.constant 0 : i32
      %dma_start3A_17 = arith.constant 0 : i32
      %dma_start3A_18 = tpu.memref_slice %arg2[%dma_start3A_16, %dma_start3A_17] : memref<10000x128xf32, #tpu.memory_space<hbm>> -> memref<10000x128xf32, #tpu.memory_space<hbm>>
      tpu.enqueue_indirect_dma source(%dma_start3A_18 : memref<10000x128xf32, #tpu.memory_space<hbm>>) target(%arg9 : memref<128x128xf32, #tpu.memory_space<vmem>>) offsets(%dma_start3A_15 : memref<128xi32, #tpu.memory_space<vmem>>) semaphore(%arg11 : memref<!tpu.dma_semaphore, #tpu.memory_space<semaphore_mem>>)
      %dma_wait3A = arith.constant 0 : i32
      %dma_wait3A_19 = tpu.memref_slice %arg7[%scan3A_13, %dma_wait3A] : memref<79x128xi32, #tpu.memory_space<vmem>> -> memref<1x128xi32, #tpu.memory_space<vmem>>
      %dma_wait3A_20 = tpu.memref_squeeze %dma_wait3A_19 : memref<1x128xi32, #tpu.memory_space<vmem>> -> memref<128xi32, #tpu.memory_space<vmem>>
      %dma_wait3A_21 = arith.constant 0 : i32
      %dma_wait3A_22 = arith.constant 0 : i32
      %dma_wait3A_23 = tpu.memref_slice %arg2[%dma_wait3A_21, %dma_wait3A_22] : memref<10000x128xf32, #tpu.memory_space<hbm>> -> memref<10000x128xf32, #tpu.memory_space<hbm>>
      tpu.wait_indirect_dma semaphore(%arg11 : memref<!tpu.dma_semaphore, #tpu.memory_space<semaphore_mem>>) src(%dma_wait3A_23 : memref<10000x128xf32, #tpu.memory_space<hbm>>) dst(%arg9 : memref<128x128xf32, #tpu.memory_space<vmem>>)
      "tpu.region"() ({
        %run_scoped3A = tpu.sem_alloc : memref<!tpu.dma_semaphore, #tpu.memory_space<semaphore_mem>>
        %dma_start3A_24 = arith.constant 0 : i32
        %dma_start3A_25 = tpu.memref_slice %arg8[%scan3A_13, %dma_start3A_24] : memref<79x128xi32, #tpu.memory_space<vmem>> -> memref<1x128xi32, #tpu.memory_space<vmem>>
        %dma_start3A_26 = tpu.memref_squeeze %dma_start3A_25 : memref<1x128xi32, #tpu.memory_space<vmem>> -> memref<128xi32, #tpu.memory_space<vmem>>
        %dma_start3A_27 = arith.constant 0 : i32
        %dma_start3A_28 = arith.constant 0 : i32
        %dma_start3A_29 = tpu.memref_slice %arg10[%dma_start3A_27, %dma_start3A_28] : memref<10112x128xf32, #tpu.memory_space<vmem_shared>> -> memref<10112x128xf32, #tpu.memory_space<vmem_shared>>
        tpu.enqueue_indirect_dma source(%arg9 : memref<128x128xf32, #tpu.memory_space<vmem>>) target(%dma_start3A_29 : memref<10112x128xf32, #tpu.memory_space<vmem_shared>>) offsets(%dma_start3A_26 : memref<128xi32, #tpu.memory_space<vmem>>) semaphore(%run_scoped3A : memref<!tpu.dma_semaphore, #tpu.memory_space<semaphore_mem>>) {add = true}
        %dma_wait3A_30 = arith.constant 0 : i32
        %dma_wait3A_31 = tpu.memref_slice %arg8[%scan3A_13, %dma_wait3A_30] : memref<79x128xi32, #tpu.memory_space<vmem>> -> memref<1x128xi32, #tpu.memory_space<vmem>>
        %dma_wait3A_32 = tpu.memref_squeeze %dma_wait3A_31 : memref<1x128xi32, #tpu.memory_space<vmem>> -> memref<128xi32, #tpu.memory_space<vmem>>
        %dma_wait3A_33 = arith.constant 0 : i32
        %dma_wait3A_34 = arith.constant 0 : i32
        %dma_wait3A_35 = tpu.memref_slice %arg10[%dma_wait3A_33, %dma_wait3A_34] : memref<10112x128xf32, #tpu.memory_space<vmem_shared>> -> memref<10112x128xf32, #tpu.memory_space<vmem_shared>>
        tpu.wait_indirect_dma semaphore(%run_scoped3A : memref<!tpu.dma_semaphore, #tpu.memory_space<semaphore_mem>>) src(%arg9 : memref<128x128xf32, #tpu.memory_space<vmem>>) dst(%dma_wait3A_35 : memref<10112x128xf32, #tpu.memory_space<vmem_shared>>)
        tpu.yield
      }) : () -> ()
    }
    %scan3A_7 = arith.constant 79 : i32
    %barrier3A_8 = arith.constant 0 : index
    tpu.barrier barrier_id(%barrier3A_8)
    %mul3A_9 = arith.constant 632 : i32
    %mul3A_10 = arith.muli %arg1, %mul3A_9 : i32
    %mul3A_11 = arith.constant 632 : i32
    %mul3A_12 = arith.muli %arg1, %mul3A_11 : i32
    "tpu.region"() ({
      %run_scoped3A = tpu.sem_alloc : memref<!tpu.dma_semaphore, #tpu.memory_space<semaphore_mem>>
      %dma_start3A = arith.constant 0 : i32
      %dma_start3A_13 = arith.constant 0 : i32
      %dma_start3A_14 = tpu.memref_slice %arg6[%arg0, %dma_start3A, %dma_start3A_13] : memref<2x10112x128xf32, #tpu.memory_space<hbm>> -> memref<1x10112x128xf32, #tpu.memory_space<hbm>>
      %dma_start3A_15 = tpu.memref_squeeze %dma_start3A_14 : memref<1x10112x128xf32, #tpu.memory_space<hbm>> -> memref<10112x128xf32, #tpu.memory_space<hbm>>
      %dma_start3A_16 = arith.constant 0 : i32
      %dma_start3A_17 = tpu.memref_slice %dma_start3A_15[%mul3A_12, %dma_start3A_16] : memref<10112x128xf32, #tpu.memory_space<hbm>> -> memref<632x128xf32, #tpu.memory_space<hbm>>
      %dma_start3A_18 = arith.constant 0 : i32
      %dma_start3A_19 = tpu.memref_slice %arg10[%mul3A_10, %dma_start3A_18] : memref<10112x128xf32, #tpu.memory_space<vmem_shared>> -> memref<632x128xf32, #tpu.memory_space<vmem_shared>>
      tpu.enqueue_dma source(%dma_start3A_19 : memref<632x128xf32, #tpu.memory_space<vmem_shared>>) target(%dma_start3A_17 : memref<632x128xf32, #tpu.memory_space<hbm>>) target_semaphore(%run_scoped3A : memref<!tpu.dma_semaphore, #tpu.memory_space<semaphore_mem>>)
      %dma_wait3A = arith.constant 0 : i32
      %dma_wait3A_20 = arith.constant 0 : i32
      %dma_wait3A_21 = tpu.memref_slice %arg6[%arg0, %dma_wait3A, %dma_wait3A_20] : memref<2x10112x128xf32, #tpu.memory_space<hbm>> -> memref<1x10112x128xf32, #tpu.memory_space<hbm>>
      %dma_wait3A_22 = tpu.memref_squeeze %dma_wait3A_21 : memref<1x10112x128xf32, #tpu.memory_space<hbm>> -> memref<10112x128xf32, #tpu.memory_space<hbm>>
      %dma_wait3A_23 = arith.constant 0 : i32
      %dma_wait3A_24 = tpu.memref_slice %dma_wait3A_22[%mul3A_12, %dma_wait3A_23] : memref<10112x128xf32, #tpu.memory_space<hbm>> -> memref<632x128xf32, #tpu.memory_space<hbm>>
      %dma_wait3A_25 = arith.constant 0 : i32
      %dma_wait3A_26 = tpu.memref_slice %arg10[%mul3A_10, %dma_wait3A_25] : memref<10112x128xf32, #tpu.memory_space<vmem_shared>> -> memref<632x128xf32, #tpu.memory_space<vmem_shared>>
      tpu.wait_dma2 semaphore(%run_scoped3A : memref<!tpu.dma_semaphore, #tpu.memory_space<semaphore_mem>>) src(%dma_wait3A_26 : memref<632x128xf32, #tpu.memory_space<vmem_shared>>) dst(%dma_wait3A_24 : memref<632x128xf32, #tpu.memory_space<hbm>>)
      tpu.yield
    }) : () -> ()
    return
  }
}

#map = affine_map<(d0, d1) -> (0, 0)>
#map1 = affine_map<(d0, d1) -> (0, 0, 0)>
module attributes {stable_mosaic.version = 14 : i64} {
  func.func @_edge_body(%arg0: i32, %arg1: i32, %arg2: memref<10000x128xf32, #tpu.memory_space<hbm>>, %arg3: memref<32x79x128xi32, #tpu.memory_space<hbm>>, %arg4: memref<32x79x128xi32, #tpu.memory_space<hbm>>, %arg5: memref<632x128xf32, #tpu.memory_space<hbm>>, %arg6: memref<2x10112x128xf32, #tpu.memory_space<hbm>>, %arg7: memref<79x128xi32, #tpu.memory_space<vmem>>, %arg8: memref<79x128xi32, #tpu.memory_space<vmem>>, %arg9: memref<128x128xf32, #tpu.memory_space<vmem>>, %arg10: memref<10112x128xf32, #tpu.memory_space<vmem_shared>>, %arg11: memref<!tpu.dma_semaphore, #tpu.memory_space<semaphore_mem>>) attributes {dimension_semantics = [#tpu.dimension_semantics<core_parallel>, #tpu.dimension_semantics<subcore_parallel>], iteration_bounds = array<i64: 2, 16>, scalar_prefetch = 0 : i64, scratch_operands = 5 : i64, tpu.core_type = #tpu.core_type<sc_vector_subcore>, window_params = [{transform_indices = #map}, {transform_indices = #map1}, {transform_indices = #map1}, {transform_indices = #map}, {transform_indices = #map1}]} {
    %mul3A = arith.constant 16 : i32
    %mul3A_0 = arith.muli %arg0, %mul3A : i32
    %add3A = arith.addi %mul3A_0, %arg1 : i32
    %mul3A_1 = arith.constant 632 : i32
    %mul3A_2 = arith.muli %arg1, %mul3A_1 : i32
    "tpu.region"() ({
      %run_scoped3A = tpu.sem_alloc : memref<!tpu.dma_semaphore, #tpu.memory_space<semaphore_mem>>
      %dma_start3A = arith.constant 0 : i32
      %dma_start3A_13 = tpu.memref_slice %arg10[%mul3A_2, %dma_start3A] : memref<10112x128xf32, #tpu.memory_space<vmem_shared>> -> memref<632x128xf32, #tpu.memory_space<vmem_shared>>
      tpu.enqueue_dma source(%arg5 : memref<632x128xf32, #tpu.memory_space<hbm>>) target(%dma_start3A_13 : memref<632x128xf32, #tpu.memory_space<vmem_shared>>) target_semaphore(%run_scoped3A : memref<!tpu.dma_semaphore, #tpu.memory_space<semaphore_mem>>)
      %dma_wait3A = arith.constant 0 : i32
      %dma_wait3A_14 = tpu.memref_slice %arg10[%mul3A_2, %dma_wait3A] : memref<10112x128xf32, #tpu.memory_space<vmem_shared>> -> memref<632x128xf32, #tpu.memory_space<vmem_shared>>
      tpu.wait_dma2 semaphore(%run_scoped3A : memref<!tpu.dma_semaphore, #tpu.memory_space<semaphore_mem>>) src(%arg5 : memref<632x128xf32, #tpu.memory_space<hbm>>) dst(%dma_wait3A_14 : memref<632x128xf32, #tpu.memory_space<vmem_shared>>)
      tpu.yield
    }) : () -> ()
    "tpu.region"() ({
      %run_scoped3A = tpu.sem_alloc : memref<!tpu.dma_semaphore, #tpu.memory_space<semaphore_mem>>
      %dma_start3A = arith.constant 0 : i32
      %dma_start3A_13 = arith.constant 0 : i32
      %dma_start3A_14 = tpu.memref_slice %arg3[%add3A, %dma_start3A, %dma_start3A_13] : memref<32x79x128xi32, #tpu.memory_space<hbm>> -> memref<1x79x128xi32, #tpu.memory_space<hbm>>
      %dma_start3A_15 = tpu.memref_squeeze %dma_start3A_14 : memref<1x79x128xi32, #tpu.memory_space<hbm>> -> memref<79x128xi32, #tpu.memory_space<hbm>>
      %dma_start3A_16 = arith.constant 0 : i32
      %dma_start3A_17 = arith.constant 0 : i32
      %dma_start3A_18 = tpu.memref_slice %arg3[%add3A, %dma_start3A_16, %dma_start3A_17] : memref<32x79x128xi32, #tpu.memory_space<hbm>> -> memref<1x79x128xi32, #tpu.memory_space<hbm>>
      %dma_start3A_19 = tpu.memref_squeeze %dma_start3A_18 : memref<1x79x128xi32, #tpu.memory_space<hbm>> -> memref<79x128xi32, #tpu.memory_space<hbm>>
      tpu.enqueue_dma source(%dma_start3A_19 : memref<79x128xi32, #tpu.memory_space<hbm>>) target(%arg7 : memref<79x128xi32, #tpu.memory_space<vmem>>) target_semaphore(%run_scoped3A : memref<!tpu.dma_semaphore, #tpu.memory_space<semaphore_mem>>)
      %dma_wait3A = arith.constant 0 : i32
      %dma_wait3A_20 = arith.constant 0 : i32
      %dma_wait3A_21 = tpu.memref_slice %arg3[%add3A, %dma_wait3A, %dma_wait3A_20] : memref<32x79x128xi32, #tpu.memory_space<hbm>> -> memref<1x79x128xi32, #tpu.memory_space<hbm>>
      %dma_wait3A_22 = tpu.memref_squeeze %dma_wait3A_21 : memref<1x79x128xi32, #tpu.memory_space<hbm>> -> memref<79x128xi32, #tpu.memory_space<hbm>>
      %dma_wait3A_23 = arith.constant 0 : i32
      %dma_wait3A_24 = arith.constant 0 : i32
      %dma_wait3A_25 = tpu.memref_slice %arg3[%add3A, %dma_wait3A_23, %dma_wait3A_24] : memref<32x79x128xi32, #tpu.memory_space<hbm>> -> memref<1x79x128xi32, #tpu.memory_space<hbm>>
      %dma_wait3A_26 = tpu.memref_squeeze %dma_wait3A_25 : memref<1x79x128xi32, #tpu.memory_space<hbm>> -> memref<79x128xi32, #tpu.memory_space<hbm>>
      tpu.wait_dma2 semaphore(%run_scoped3A : memref<!tpu.dma_semaphore, #tpu.memory_space<semaphore_mem>>) src(%dma_wait3A_26 : memref<79x128xi32, #tpu.memory_space<hbm>>) dst(%arg7 : memref<79x128xi32, #tpu.memory_space<vmem>>)
      tpu.yield
    }) : () -> ()
    "tpu.region"() ({
      %run_scoped3A = tpu.sem_alloc : memref<!tpu.dma_semaphore, #tpu.memory_space<semaphore_mem>>
      %dma_start3A = arith.constant 0 : i32
      %dma_start3A_13 = arith.constant 0 : i32
      %dma_start3A_14 = tpu.memref_slice %arg4[%add3A, %dma_start3A, %dma_start3A_13] : memref<32x79x128xi32, #tpu.memory_space<hbm>> -> memref<1x79x128xi32, #tpu.memory_space<hbm>>
      %dma_start3A_15 = tpu.memref_squeeze %dma_start3A_14 : memref<1x79x128xi32, #tpu.memory_space<hbm>> -> memref<79x128xi32, #tpu.memory_space<hbm>>
      %dma_start3A_16 = arith.constant 0 : i32
      %dma_start3A_17 = arith.constant 0 : i32
      %dma_start3A_18 = tpu.memref_slice %arg4[%add3A, %dma_start3A_16, %dma_start3A_17] : memref<32x79x128xi32, #tpu.memory_space<hbm>> -> memref<1x79x128xi32, #tpu.memory_space<hbm>>
      %dma_start3A_19 = tpu.memref_squeeze %dma_start3A_18 : memref<1x79x128xi32, #tpu.memory_space<hbm>> -> memref<79x128xi32, #tpu.memory_space<hbm>>
      tpu.enqueue_dma source(%dma_start3A_19 : memref<79x128xi32, #tpu.memory_space<hbm>>) target(%arg8 : memref<79x128xi32, #tpu.memory_space<vmem>>) target_semaphore(%run_scoped3A : memref<!tpu.dma_semaphore, #tpu.memory_space<semaphore_mem>>)
      %dma_wait3A = arith.constant 0 : i32
      %dma_wait3A_20 = arith.constant 0 : i32
      %dma_wait3A_21 = tpu.memref_slice %arg4[%add3A, %dma_wait3A, %dma_wait3A_20] : memref<32x79x128xi32, #tpu.memory_space<hbm>> -> memref<1x79x128xi32, #tpu.memory_space<hbm>>
      %dma_wait3A_22 = tpu.memref_squeeze %dma_wait3A_21 : memref<1x79x128xi32, #tpu.memory_space<hbm>> -> memref<79x128xi32, #tpu.memory_space<hbm>>
      %dma_wait3A_23 = arith.constant 0 : i32
      %dma_wait3A_24 = arith.constant 0 : i32
      %dma_wait3A_25 = tpu.memref_slice %arg4[%add3A, %dma_wait3A_23, %dma_wait3A_24] : memref<32x79x128xi32, #tpu.memory_space<hbm>> -> memref<1x79x128xi32, #tpu.memory_space<hbm>>
      %dma_wait3A_26 = tpu.memref_squeeze %dma_wait3A_25 : memref<1x79x128xi32, #tpu.memory_space<hbm>> -> memref<79x128xi32, #tpu.memory_space<hbm>>
      tpu.wait_dma2 semaphore(%run_scoped3A : memref<!tpu.dma_semaphore, #tpu.memory_space<semaphore_mem>>) src(%dma_wait3A_26 : memref<79x128xi32, #tpu.memory_space<hbm>>) dst(%arg8 : memref<79x128xi32, #tpu.memory_space<vmem>>)
      tpu.yield
    }) : () -> ()
    %barrier3A = arith.constant 0 : index
    tpu.barrier barrier_id(%barrier3A)
    %scan3A = arith.constant 0 : i32
    %scan3A_3 = arith.constant 0 : i32
    %scan3A_4 = arith.constant 79 : i32
    %scan3A_5 = arith.addi %scan3A_3, %scan3A_4 : i32
    %scan3A_6 = arith.constant 1 : i32
    scf.for %scan3A_13 = %scan3A_3 to %scan3A_5 step %scan3A_6  : i32 {
      %dma_start3A = arith.constant 0 : i32
      %dma_start3A_14 = tpu.memref_slice %arg7[%scan3A_13, %dma_start3A] : memref<79x128xi32, #tpu.memory_space<vmem>> -> memref<1x128xi32, #tpu.memory_space<vmem>>
      %dma_start3A_15 = tpu.memref_squeeze %dma_start3A_14 : memref<1x128xi32, #tpu.memory_space<vmem>> -> memref<128xi32, #tpu.memory_space<vmem>>
      %dma_start3A_16 = arith.constant 0 : i32
      %dma_start3A_17 = arith.constant 0 : i32
      %dma_start3A_18 = tpu.memref_slice %arg2[%dma_start3A_16, %dma_start3A_17] : memref<10000x128xf32, #tpu.memory_space<hbm>> -> memref<10000x128xf32, #tpu.memory_space<hbm>>
      tpu.enqueue_indirect_dma source(%dma_start3A_18 : memref<10000x128xf32, #tpu.memory_space<hbm>>) target(%arg9 : memref<128x128xf32, #tpu.memory_space<vmem>>) offsets(%dma_start3A_15 : memref<128xi32, #tpu.memory_space<vmem>>) semaphore(%arg11 : memref<!tpu.dma_semaphore, #tpu.memory_space<semaphore_mem>>)
      %dma_wait3A = arith.constant 0 : i32
      %dma_wait3A_19 = tpu.memref_slice %arg7[%scan3A_13, %dma_wait3A] : memref<79x128xi32, #tpu.memory_space<vmem>> -> memref<1x128xi32, #tpu.memory_space<vmem>>
      %dma_wait3A_20 = tpu.memref_squeeze %dma_wait3A_19 : memref<1x128xi32, #tpu.memory_space<vmem>> -> memref<128xi32, #tpu.memory_space<vmem>>
      %dma_wait3A_21 = arith.constant 0 : i32
      %dma_wait3A_22 = arith.constant 0 : i32
      %dma_wait3A_23 = tpu.memref_slice %arg2[%dma_wait3A_21, %dma_wait3A_22] : memref<10000x128xf32, #tpu.memory_space<hbm>> -> memref<10000x128xf32, #tpu.memory_space<hbm>>
      tpu.wait_indirect_dma semaphore(%arg11 : memref<!tpu.dma_semaphore, #tpu.memory_space<semaphore_mem>>) src(%dma_wait3A_23 : memref<10000x128xf32, #tpu.memory_space<hbm>>) dst(%arg9 : memref<128x128xf32, #tpu.memory_space<vmem>>)
      "tpu.region"() ({
        %run_scoped3A = tpu.sem_alloc : memref<!tpu.dma_semaphore, #tpu.memory_space<semaphore_mem>>
        %dma_start3A_24 = arith.constant 0 : i32
        %dma_start3A_25 = tpu.memref_slice %arg8[%scan3A_13, %dma_start3A_24] : memref<79x128xi32, #tpu.memory_space<vmem>> -> memref<1x128xi32, #tpu.memory_space<vmem>>
        %dma_start3A_26 = tpu.memref_squeeze %dma_start3A_25 : memref<1x128xi32, #tpu.memory_space<vmem>> -> memref<128xi32, #tpu.memory_space<vmem>>
        %dma_start3A_27 = arith.constant 0 : i32
        %dma_start3A_28 = arith.constant 0 : i32
        %dma_start3A_29 = tpu.memref_slice %arg10[%dma_start3A_27, %dma_start3A_28] : memref<10112x128xf32, #tpu.memory_space<vmem_shared>> -> memref<10112x128xf32, #tpu.memory_space<vmem_shared>>
        tpu.enqueue_indirect_dma source(%arg9 : memref<128x128xf32, #tpu.memory_space<vmem>>) target(%dma_start3A_29 : memref<10112x128xf32, #tpu.memory_space<vmem_shared>>) offsets(%dma_start3A_26 : memref<128xi32, #tpu.memory_space<vmem>>) semaphore(%run_scoped3A : memref<!tpu.dma_semaphore, #tpu.memory_space<semaphore_mem>>) {add = true}
        %dma_wait3A_30 = arith.constant 0 : i32
        %dma_wait3A_31 = tpu.memref_slice %arg8[%scan3A_13, %dma_wait3A_30] : memref<79x128xi32, #tpu.memory_space<vmem>> -> memref<1x128xi32, #tpu.memory_space<vmem>>
        %dma_wait3A_32 = tpu.memref_squeeze %dma_wait3A_31 : memref<1x128xi32, #tpu.memory_space<vmem>> -> memref<128xi32, #tpu.memory_space<vmem>>
        %dma_wait3A_33 = arith.constant 0 : i32
        %dma_wait3A_34 = arith.constant 0 : i32
        %dma_wait3A_35 = tpu.memref_slice %arg10[%dma_wait3A_33, %dma_wait3A_34] : memref<10112x128xf32, #tpu.memory_space<vmem_shared>> -> memref<10112x128xf32, #tpu.memory_space<vmem_shared>>
        tpu.wait_indirect_dma semaphore(%run_scoped3A : memref<!tpu.dma_semaphore, #tpu.memory_space<semaphore_mem>>) src(%arg9 : memref<128x128xf32, #tpu.memory_space<vmem>>) dst(%dma_wait3A_35 : memref<10112x128xf32, #tpu.memory_space<vmem_shared>>)
        tpu.yield
      }) : () -> ()
    }
    %scan3A_7 = arith.constant 79 : i32
    %barrier3A_8 = arith.constant 0 : index
    tpu.barrier barrier_id(%barrier3A_8)
    %mul3A_9 = arith.constant 632 : i32
    %mul3A_10 = arith.muli %arg1, %mul3A_9 : i32
    %mul3A_11 = arith.constant 632 : i32
    %mul3A_12 = arith.muli %arg1, %mul3A_11 : i32
    "tpu.region"() ({
      %run_scoped3A = tpu.sem_alloc : memref<!tpu.dma_semaphore, #tpu.memory_space<semaphore_mem>>
      %dma_start3A = arith.constant 0 : i32
      %dma_start3A_13 = arith.constant 0 : i32
      %dma_start3A_14 = tpu.memref_slice %arg6[%arg0, %dma_start3A, %dma_start3A_13] : memref<2x10112x128xf32, #tpu.memory_space<hbm>> -> memref<1x10112x128xf32, #tpu.memory_space<hbm>>
      %dma_start3A_15 = tpu.memref_squeeze %dma_start3A_14 : memref<1x10112x128xf32, #tpu.memory_space<hbm>> -> memref<10112x128xf32, #tpu.memory_space<hbm>>
      %dma_start3A_16 = arith.constant 0 : i32
      %dma_start3A_17 = tpu.memref_slice %dma_start3A_15[%mul3A_12, %dma_start3A_16] : memref<10112x128xf32, #tpu.memory_space<hbm>> -> memref<632x128xf32, #tpu.memory_space<hbm>>
      %dma_start3A_18 = arith.constant 0 : i32
      %dma_start3A_19 = tpu.memref_slice %arg10[%mul3A_10, %dma_start3A_18] : memref<10112x128xf32, #tpu.memory_space<vmem_shared>> -> memref<632x128xf32, #tpu.memory_space<vmem_shared>>
      tpu.enqueue_dma source(%dma_start3A_19 : memref<632x128xf32, #tpu.memory_space<vmem_shared>>) target(%dma_start3A_17 : memref<632x128xf32, #tpu.memory_space<hbm>>) target_semaphore(%run_scoped3A : memref<!tpu.dma_semaphore, #tpu.memory_space<semaphore_mem>>)
      %dma_wait3A = arith.constant 0 : i32
      %dma_wait3A_20 = arith.constant 0 : i32
      %dma_wait3A_21 = tpu.memref_slice %arg6[%arg0, %dma_wait3A, %dma_wait3A_20] : memref<2x10112x128xf32, #tpu.memory_space<hbm>> -> memref<1x10112x128xf32, #tpu.memory_space<hbm>>
      %dma_wait3A_22 = tpu.memref_squeeze %dma_wait3A_21 : memref<1x10112x128xf32, #tpu.memory_space<hbm>> -> memref<10112x128xf32, #tpu.memory_space<hbm>>
      %dma_wait3A_23 = arith.constant 0 : i32
      %dma_wait3A_24 = tpu.memref_slice %dma_wait3A_22[%mul3A_12, %dma_wait3A_23] : memref<10112x128xf32, #tpu.memory_space<hbm>> -> memref<632x128xf32, #tpu.memory_space<hbm>>
      %dma_wait3A_25 = arith.constant 0 : i32
      %dma_wait3A_26 = tpu.memref_slice %arg10[%mul3A_10, %dma_wait3A_25] : memref<10112x128xf32, #tpu.memory_space<vmem_shared>> -> memref<632x128xf32, #tpu.memory_space<vmem_shared>>
      tpu.wait_dma2 semaphore(%run_scoped3A : memref<!tpu.dma_semaphore, #tpu.memory_space<semaphore_mem>>) src(%dma_wait3A_26 : memref<632x128xf32, #tpu.memory_space<vmem_shared>>) dst(%dma_wait3A_24 : memref<632x128xf32, #tpu.memory_space<hbm>>)
      tpu.yield
    }) : () -> ()
    return
  }
}

#map = affine_map<(d0, d1) -> (0, 0)>
#map1 = affine_map<(d0, d1) -> (0, 0, 0)>
module attributes {stable_mosaic.version = 14 : i64} {
  func.func @_edge_body(%arg0: i32, %arg1: i32, %arg2: memref<10000x128xf32, #tpu.memory_space<hbm>>, %arg3: memref<32x79x128xi32, #tpu.memory_space<hbm>>, %arg4: memref<32x79x128xi32, #tpu.memory_space<hbm>>, %arg5: memref<632x128xf32, #tpu.memory_space<hbm>>, %arg6: memref<2x10112x128xf32, #tpu.memory_space<hbm>>, %arg7: memref<79x128xi32, #tpu.memory_space<vmem>>, %arg8: memref<79x128xi32, #tpu.memory_space<vmem>>, %arg9: memref<128x128xf32, #tpu.memory_space<vmem>>, %arg10: memref<10112x128xf32, #tpu.memory_space<vmem_shared>>, %arg11: memref<!tpu.dma_semaphore, #tpu.memory_space<semaphore_mem>>) attributes {dimension_semantics = [#tpu.dimension_semantics<core_parallel>, #tpu.dimension_semantics<subcore_parallel>], iteration_bounds = array<i64: 2, 16>, scalar_prefetch = 0 : i64, scratch_operands = 5 : i64, tpu.core_type = #tpu.core_type<sc_vector_subcore>, window_params = [{transform_indices = #map}, {transform_indices = #map1}, {transform_indices = #map1}, {transform_indices = #map}, {transform_indices = #map1}]} {
    %mul3A = arith.constant 16 : i32
    %mul3A_0 = arith.muli %arg0, %mul3A : i32
    %add3A = arith.addi %mul3A_0, %arg1 : i32
    %mul3A_1 = arith.constant 632 : i32
    %mul3A_2 = arith.muli %arg1, %mul3A_1 : i32
    "tpu.region"() ({
      %run_scoped3A = tpu.sem_alloc : memref<!tpu.dma_semaphore, #tpu.memory_space<semaphore_mem>>
      %dma_start3A = arith.constant 0 : i32
      %dma_start3A_13 = tpu.memref_slice %arg10[%mul3A_2, %dma_start3A] : memref<10112x128xf32, #tpu.memory_space<vmem_shared>> -> memref<632x128xf32, #tpu.memory_space<vmem_shared>>
      tpu.enqueue_dma source(%arg5 : memref<632x128xf32, #tpu.memory_space<hbm>>) target(%dma_start3A_13 : memref<632x128xf32, #tpu.memory_space<vmem_shared>>) target_semaphore(%run_scoped3A : memref<!tpu.dma_semaphore, #tpu.memory_space<semaphore_mem>>)
      %dma_wait3A = arith.constant 0 : i32
      %dma_wait3A_14 = tpu.memref_slice %arg10[%mul3A_2, %dma_wait3A] : memref<10112x128xf32, #tpu.memory_space<vmem_shared>> -> memref<632x128xf32, #tpu.memory_space<vmem_shared>>
      tpu.wait_dma2 semaphore(%run_scoped3A : memref<!tpu.dma_semaphore, #tpu.memory_space<semaphore_mem>>) src(%arg5 : memref<632x128xf32, #tpu.memory_space<hbm>>) dst(%dma_wait3A_14 : memref<632x128xf32, #tpu.memory_space<vmem_shared>>)
      tpu.yield
    }) : () -> ()
    "tpu.region"() ({
      %run_scoped3A = tpu.sem_alloc : memref<!tpu.dma_semaphore, #tpu.memory_space<semaphore_mem>>
      %dma_start3A = arith.constant 0 : i32
      %dma_start3A_13 = arith.constant 0 : i32
      %dma_start3A_14 = tpu.memref_slice %arg3[%add3A, %dma_start3A, %dma_start3A_13] : memref<32x79x128xi32, #tpu.memory_space<hbm>> -> memref<1x79x128xi32, #tpu.memory_space<hbm>>
      %dma_start3A_15 = tpu.memref_squeeze %dma_start3A_14 : memref<1x79x128xi32, #tpu.memory_space<hbm>> -> memref<79x128xi32, #tpu.memory_space<hbm>>
      %dma_start3A_16 = arith.constant 0 : i32
      %dma_start3A_17 = arith.constant 0 : i32
      %dma_start3A_18 = tpu.memref_slice %arg3[%add3A, %dma_start3A_16, %dma_start3A_17] : memref<32x79x128xi32, #tpu.memory_space<hbm>> -> memref<1x79x128xi32, #tpu.memory_space<hbm>>
      %dma_start3A_19 = tpu.memref_squeeze %dma_start3A_18 : memref<1x79x128xi32, #tpu.memory_space<hbm>> -> memref<79x128xi32, #tpu.memory_space<hbm>>
      tpu.enqueue_dma source(%dma_start3A_19 : memref<79x128xi32, #tpu.memory_space<hbm>>) target(%arg7 : memref<79x128xi32, #tpu.memory_space<vmem>>) target_semaphore(%run_scoped3A : memref<!tpu.dma_semaphore, #tpu.memory_space<semaphore_mem>>)
      %dma_wait3A = arith.constant 0 : i32
      %dma_wait3A_20 = arith.constant 0 : i32
      %dma_wait3A_21 = tpu.memref_slice %arg3[%add3A, %dma_wait3A, %dma_wait3A_20] : memref<32x79x128xi32, #tpu.memory_space<hbm>> -> memref<1x79x128xi32, #tpu.memory_space<hbm>>
      %dma_wait3A_22 = tpu.memref_squeeze %dma_wait3A_21 : memref<1x79x128xi32, #tpu.memory_space<hbm>> -> memref<79x128xi32, #tpu.memory_space<hbm>>
      %dma_wait3A_23 = arith.constant 0 : i32
      %dma_wait3A_24 = arith.constant 0 : i32
      %dma_wait3A_25 = tpu.memref_slice %arg3[%add3A, %dma_wait3A_23, %dma_wait3A_24] : memref<32x79x128xi32, #tpu.memory_space<hbm>> -> memref<1x79x128xi32, #tpu.memory_space<hbm>>
      %dma_wait3A_26 = tpu.memref_squeeze %dma_wait3A_25 : memref<1x79x128xi32, #tpu.memory_space<hbm>> -> memref<79x128xi32, #tpu.memory_space<hbm>>
      tpu.wait_dma2 semaphore(%run_scoped3A : memref<!tpu.dma_semaphore, #tpu.memory_space<semaphore_mem>>) src(%dma_wait3A_26 : memref<79x128xi32, #tpu.memory_space<hbm>>) dst(%arg7 : memref<79x128xi32, #tpu.memory_space<vmem>>)
      tpu.yield
    }) : () -> ()
    "tpu.region"() ({
      %run_scoped3A = tpu.sem_alloc : memref<!tpu.dma_semaphore, #tpu.memory_space<semaphore_mem>>
      %dma_start3A = arith.constant 0 : i32
      %dma_start3A_13 = arith.constant 0 : i32
      %dma_start3A_14 = tpu.memref_slice %arg4[%add3A, %dma_start3A, %dma_start3A_13] : memref<32x79x128xi32, #tpu.memory_space<hbm>> -> memref<1x79x128xi32, #tpu.memory_space<hbm>>
      %dma_start3A_15 = tpu.memref_squeeze %dma_start3A_14 : memref<1x79x128xi32, #tpu.memory_space<hbm>> -> memref<79x128xi32, #tpu.memory_space<hbm>>
      %dma_start3A_16 = arith.constant 0 : i32
      %dma_start3A_17 = arith.constant 0 : i32
      %dma_start3A_18 = tpu.memref_slice %arg4[%add3A, %dma_start3A_16, %dma_start3A_17] : memref<32x79x128xi32, #tpu.memory_space<hbm>> -> memref<1x79x128xi32, #tpu.memory_space<hbm>>
      %dma_start3A_19 = tpu.memref_squeeze %dma_start3A_18 : memref<1x79x128xi32, #tpu.memory_space<hbm>> -> memref<79x128xi32, #tpu.memory_space<hbm>>
      tpu.enqueue_dma source(%dma_start3A_19 : memref<79x128xi32, #tpu.memory_space<hbm>>) target(%arg8 : memref<79x128xi32, #tpu.memory_space<vmem>>) target_semaphore(%run_scoped3A : memref<!tpu.dma_semaphore, #tpu.memory_space<semaphore_mem>>)
      %dma_wait3A = arith.constant 0 : i32
      %dma_wait3A_20 = arith.constant 0 : i32
      %dma_wait3A_21 = tpu.memref_slice %arg4[%add3A, %dma_wait3A, %dma_wait3A_20] : memref<32x79x128xi32, #tpu.memory_space<hbm>> -> memref<1x79x128xi32, #tpu.memory_space<hbm>>
      %dma_wait3A_22 = tpu.memref_squeeze %dma_wait3A_21 : memref<1x79x128xi32, #tpu.memory_space<hbm>> -> memref<79x128xi32, #tpu.memory_space<hbm>>
      %dma_wait3A_23 = arith.constant 0 : i32
      %dma_wait3A_24 = arith.constant 0 : i32
      %dma_wait3A_25 = tpu.memref_slice %arg4[%add3A, %dma_wait3A_23, %dma_wait3A_24] : memref<32x79x128xi32, #tpu.memory_space<hbm>> -> memref<1x79x128xi32, #tpu.memory_space<hbm>>
      %dma_wait3A_26 = tpu.memref_squeeze %dma_wait3A_25 : memref<1x79x128xi32, #tpu.memory_space<hbm>> -> memref<79x128xi32, #tpu.memory_space<hbm>>
      tpu.wait_dma2 semaphore(%run_scoped3A : memref<!tpu.dma_semaphore, #tpu.memory_space<semaphore_mem>>) src(%dma_wait3A_26 : memref<79x128xi32, #tpu.memory_space<hbm>>) dst(%arg8 : memref<79x128xi32, #tpu.memory_space<vmem>>)
      tpu.yield
    }) : () -> ()
    %barrier3A = arith.constant 0 : index
    tpu.barrier barrier_id(%barrier3A)
    %scan3A = arith.constant 0 : i32
    %scan3A_3 = arith.constant 0 : i32
    %scan3A_4 = arith.constant 79 : i32
    %scan3A_5 = arith.addi %scan3A_3, %scan3A_4 : i32
    %scan3A_6 = arith.constant 1 : i32
    scf.for %scan3A_13 = %scan3A_3 to %scan3A_5 step %scan3A_6  : i32 {
      %dma_start3A = arith.constant 0 : i32
      %dma_start3A_14 = tpu.memref_slice %arg7[%scan3A_13, %dma_start3A] : memref<79x128xi32, #tpu.memory_space<vmem>> -> memref<1x128xi32, #tpu.memory_space<vmem>>
      %dma_start3A_15 = tpu.memref_squeeze %dma_start3A_14 : memref<1x128xi32, #tpu.memory_space<vmem>> -> memref<128xi32, #tpu.memory_space<vmem>>
      %dma_start3A_16 = arith.constant 0 : i32
      %dma_start3A_17 = arith.constant 0 : i32
      %dma_start3A_18 = tpu.memref_slice %arg2[%dma_start3A_16, %dma_start3A_17] : memref<10000x128xf32, #tpu.memory_space<hbm>> -> memref<10000x128xf32, #tpu.memory_space<hbm>>
      tpu.enqueue_indirect_dma source(%dma_start3A_18 : memref<10000x128xf32, #tpu.memory_space<hbm>>) target(%arg9 : memref<128x128xf32, #tpu.memory_space<vmem>>) offsets(%dma_start3A_15 : memref<128xi32, #tpu.memory_space<vmem>>) semaphore(%arg11 : memref<!tpu.dma_semaphore, #tpu.memory_space<semaphore_mem>>)
      %dma_wait3A = arith.constant 0 : i32
      %dma_wait3A_19 = tpu.memref_slice %arg7[%scan3A_13, %dma_wait3A] : memref<79x128xi32, #tpu.memory_space<vmem>> -> memref<1x128xi32, #tpu.memory_space<vmem>>
      %dma_wait3A_20 = tpu.memref_squeeze %dma_wait3A_19 : memref<1x128xi32, #tpu.memory_space<vmem>> -> memref<128xi32, #tpu.memory_space<vmem>>
      %dma_wait3A_21 = arith.constant 0 : i32
      %dma_wait3A_22 = arith.constant 0 : i32
      %dma_wait3A_23 = tpu.memref_slice %arg2[%dma_wait3A_21, %dma_wait3A_22] : memref<10000x128xf32, #tpu.memory_space<hbm>> -> memref<10000x128xf32, #tpu.memory_space<hbm>>
      tpu.wait_indirect_dma semaphore(%arg11 : memref<!tpu.dma_semaphore, #tpu.memory_space<semaphore_mem>>) src(%dma_wait3A_23 : memref<10000x128xf32, #tpu.memory_space<hbm>>) dst(%arg9 : memref<128x128xf32, #tpu.memory_space<vmem>>)
      "tpu.region"() ({
        %run_scoped3A = tpu.sem_alloc : memref<!tpu.dma_semaphore, #tpu.memory_space<semaphore_mem>>
        %dma_start3A_24 = arith.constant 0 : i32
        %dma_start3A_25 = tpu.memref_slice %arg8[%scan3A_13, %dma_start3A_24] : memref<79x128xi32, #tpu.memory_space<vmem>> -> memref<1x128xi32, #tpu.memory_space<vmem>>
        %dma_start3A_26 = tpu.memref_squeeze %dma_start3A_25 : memref<1x128xi32, #tpu.memory_space<vmem>> -> memref<128xi32, #tpu.memory_space<vmem>>
        %dma_start3A_27 = arith.constant 0 : i32
        %dma_start3A_28 = arith.constant 0 : i32
        %dma_start3A_29 = tpu.memref_slice %arg10[%dma_start3A_27, %dma_start3A_28] : memref<10112x128xf32, #tpu.memory_space<vmem_shared>> -> memref<10112x128xf32, #tpu.memory_space<vmem_shared>>
        tpu.enqueue_indirect_dma source(%arg9 : memref<128x128xf32, #tpu.memory_space<vmem>>) target(%dma_start3A_29 : memref<10112x128xf32, #tpu.memory_space<vmem_shared>>) offsets(%dma_start3A_26 : memref<128xi32, #tpu.memory_space<vmem>>) semaphore(%run_scoped3A : memref<!tpu.dma_semaphore, #tpu.memory_space<semaphore_mem>>) {add = true}
        %dma_wait3A_30 = arith.constant 0 : i32
        %dma_wait3A_31 = tpu.memref_slice %arg8[%scan3A_13, %dma_wait3A_30] : memref<79x128xi32, #tpu.memory_space<vmem>> -> memref<1x128xi32, #tpu.memory_space<vmem>>
        %dma_wait3A_32 = tpu.memref_squeeze %dma_wait3A_31 : memref<1x128xi32, #tpu.memory_space<vmem>> -> memref<128xi32, #tpu.memory_space<vmem>>
        %dma_wait3A_33 = arith.constant 0 : i32
        %dma_wait3A_34 = arith.constant 0 : i32
        %dma_wait3A_35 = tpu.memref_slice %arg10[%dma_wait3A_33, %dma_wait3A_34] : memref<10112x128xf32, #tpu.memory_space<vmem_shared>> -> memref<10112x128xf32, #tpu.memory_space<vmem_shared>>
        tpu.wait_indirect_dma semaphore(%run_scoped3A : memref<!tpu.dma_semaphore, #tpu.memory_space<semaphore_mem>>) src(%arg9 : memref<128x128xf32, #tpu.memory_space<vmem>>) dst(%dma_wait3A_35 : memref<10112x128xf32, #tpu.memory_space<vmem_shared>>)
        tpu.yield
      }) : () -> ()
    }
    %scan3A_7 = arith.constant 79 : i32
    %barrier3A_8 = arith.constant 0 : index
    tpu.barrier barrier_id(%barrier3A_8)
    %mul3A_9 = arith.constant 632 : i32
    %mul3A_10 = arith.muli %arg1, %mul3A_9 : i32
    %mul3A_11 = arith.constant 632 : i32
    %mul3A_12 = arith.muli %arg1, %mul3A_11 : i32
    "tpu.region"() ({
      %run_scoped3A = tpu.sem_alloc : memref<!tpu.dma_semaphore, #tpu.memory_space<semaphore_mem>>
      %dma_start3A = arith.constant 0 : i32
      %dma_start3A_13 = arith.constant 0 : i32
      %dma_start3A_14 = tpu.memref_slice %arg6[%arg0, %dma_start3A, %dma_start3A_13] : memref<2x10112x128xf32, #tpu.memory_space<hbm>> -> memref<1x10112x128xf32, #tpu.memory_space<hbm>>
      %dma_start3A_15 = tpu.memref_squeeze %dma_start3A_14 : memref<1x10112x128xf32, #tpu.memory_space<hbm>> -> memref<10112x128xf32, #tpu.memory_space<hbm>>
      %dma_start3A_16 = arith.constant 0 : i32
      %dma_start3A_17 = tpu.memref_slice %dma_start3A_15[%mul3A_12, %dma_start3A_16] : memref<10112x128xf32, #tpu.memory_space<hbm>> -> memref<632x128xf32, #tpu.memory_space<hbm>>
      %dma_start3A_18 = arith.constant 0 : i32
      %dma_start3A_19 = tpu.memref_slice %arg10[%mul3A_10, %dma_start3A_18] : memref<10112x128xf32, #tpu.memory_space<vmem_shared>> -> memref<632x128xf32, #tpu.memory_space<vmem_shared>>
      tpu.enqueue_dma source(%dma_start3A_19 : memref<632x128xf32, #tpu.memory_space<vmem_shared>>) target(%dma_start3A_17 : memref<632x128xf32, #tpu.memory_space<hbm>>) target_semaphore(%run_scoped3A : memref<!tpu.dma_semaphore, #tpu.memory_space<semaphore_mem>>)
      %dma_wait3A = arith.constant 0 : i32
      %dma_wait3A_20 = arith.constant 0 : i32
      %dma_wait3A_21 = tpu.memref_slice %arg6[%arg0, %dma_wait3A, %dma_wait3A_20] : memref<2x10112x128xf32, #tpu.memory_space<hbm>> -> memref<1x10112x128xf32, #tpu.memory_space<hbm>>
      %dma_wait3A_22 = tpu.memref_squeeze %dma_wait3A_21 : memref<1x10112x128xf32, #tpu.memory_space<hbm>> -> memref<10112x128xf32, #tpu.memory_space<hbm>>
      %dma_wait3A_23 = arith.constant 0 : i32
      %dma_wait3A_24 = tpu.memref_slice %dma_wait3A_22[%mul3A_12, %dma_wait3A_23] : memref<10112x128xf32, #tpu.memory_space<hbm>> -> memref<632x128xf32, #tpu.memory_space<hbm>>
      %dma_wait3A_25 = arith.constant 0 : i32
      %dma_wait3A_26 = tpu.memref_slice %arg10[%mul3A_10, %dma_wait3A_25] : memref<10112x128xf32, #tpu.memory_space<vmem_shared>> -> memref<632x128xf32, #tpu.memory_space<vmem_shared>>
      tpu.wait_dma2 semaphore(%run_scoped3A : memref<!tpu.dma_semaphore, #tpu.memory_space<semaphore_mem>>) src(%dma_wait3A_26 : memref<632x128xf32, #tpu.memory_space<vmem_shared>>) dst(%dma_wait3A_24 : memref<632x128xf32, #tpu.memory_space<hbm>>)
      tpu.yield
    }) : () -> ()
    return
  }
}

module attributes {stable_mosaic.version = 14 : i64} {
  func.func @_prep_body(%arg0: i32, %arg1: memref<2000x128xf32, #tpu.memory_space<vmem>>, %arg2: memref<128x128xf32, #tpu.memory_space<vmem>>, %arg3: memref<2000x32xf32, #tpu.memory_space<vmem>>, %arg4: memref<2000x128xf32, #tpu.memory_space<vmem>>, %arg5: memref<2000x128xf32, #tpu.memory_space<vmem>>) attributes {dimension_semantics = [#tpu.dimension_semantics<arbitrary>], iteration_bounds = array<i64: 5>, scalar_prefetch = 0 : i64, scratch_operands = 0 : i64, tpu.core_type = #tpu.core_type<tc>, window_params = [{transform_indices = @transform_0, window_bounds = array<i64: 2000, 128>}, {pipeline_mode = #tpu.pipeline_mode<synchronous>, transform_indices = @transform_1, window_bounds = array<i64: 128, 128>}, {transform_indices = @transform_2, window_bounds = array<i64: 2000, 32>}, {transform_indices = @transform_3, window_bounds = array<i64: 2000, 128>}, {transform_indices = @transform_4, window_bounds = array<i64: 2000, 128>}]} {
    %get3A = arith.constant 0 : index
    %get3A_0 = arith.constant 0 : index
    %get3A_1 = vector.load %arg3[%get3A, %get3A_0] : memref<2000x32xf32, #tpu.memory_space<vmem>>, vector<2000x32xf32>
    %reduce_sum3A = arith.constant dense<0.000000e+00> : vector<2000xf32>
    %reduce_sum3A_2 = vector.multi_reduction <add>, %get3A_1, %reduce_sum3A [1] : vector<2000x32xf32> to vector<2000xf32>
    %broadcast_in_dim3A = vector.shape_cast %reduce_sum3A_2 : vector<2000xf32> to vector<2000x1xf32>
    %add3A = arith.constant 1.000000e+00 : f32
    %add3A_3 = vector.broadcast %add3A : f32 to vector<2000x1xf32>
    %add3A_4 = arith.addf %broadcast_in_dim3A, %add3A_3 : vector<2000x1xf32>
    %rsqrt3A = math.rsqrt %add3A_4 : vector<2000x1xf32>
    %get3A_5 = arith.constant 0 : index
    %get3A_6 = arith.constant 0 : index
    %get3A_7 = vector.load %arg1[%get3A_5, %get3A_6] : memref<2000x128xf32, #tpu.memory_space<vmem>>, vector<2000x128xf32>
    %get3A_8 = arith.constant 0 : index
    %get3A_9 = arith.constant 0 : index
    %get3A_10 = vector.load %arg2[%get3A_8, %get3A_9] : memref<128x128xf32, #tpu.memory_space<vmem>>, vector<128x128xf32>
    %dot_general3A = arith.constant dense<0.000000e+00> : vector<2000x128xf32>
    %dot_general3A_11 = tpu.matmul %get3A_7, %get3A_10, %dot_general3A {dimension_numbers = #tpu.dot_dimension_numbers<[1], [0], [0], [1], [0, 0, 1, 1], [], []>, transpose_lhs_hint = false} : vector<2000x128xf32>, vector<128x128xf32>, vector<2000x128xf32> -> vector<2000x128xf32>
    %mul3A = vector.broadcast %rsqrt3A : vector<2000x1xf32> to vector<2000x128xf32>
    %mul3A_12 = arith.mulf %dot_general3A_11, %mul3A : vector<2000x128xf32>
    %swap3A = arith.constant 0 : index
    %swap3A_13 = arith.constant 0 : index
    %swap3A_14 = vector.load %arg4[%swap3A, %swap3A_13] : memref<2000x128xf32, #tpu.memory_space<vmem>>, vector<2000x128xf32>
    tpu.vector_store %arg4[%swap3A, %swap3A_13], %mul3A_12 {strides = array<i32>} : memref<2000x128xf32, #tpu.memory_space<vmem>>, vector<2000x128xf32>,
    %broadcast_in_dim3A_15 = vector.shape_cast %rsqrt3A : vector<2000x1xf32> to vector<2000x1xf32>
    %broadcast_in_dim3A_16 = vector.broadcast %broadcast_in_dim3A_15 : vector<2000x1xf32> to vector<2000x128xf32>
    %swap3A_17 = arith.constant 0 : index
    %swap3A_18 = arith.constant 0 : index
    %swap3A_19 = vector.load %arg5[%swap3A_17, %swap3A_18] : memref<2000x128xf32, #tpu.memory_space<vmem>>, vector<2000x128xf32>
    tpu.vector_store %arg5[%swap3A_17, %swap3A_18], %broadcast_in_dim3A_16 {strides = array<i32>} : memref<2000x128xf32, #tpu.memory_space<vmem>>, vector<2000x128xf32>,
    return
  }
  func.func @transform_0(%arg0: i32) -> (i32, i32) {
    %c0_i32 = arith.constant 0 : i32
    %c0_i32_0 = arith.constant 0 : i32
    return %arg0, %c0_i32 : i32, i32
  }
  func.func @transform_1(%arg0: i32) -> (i32, i32) {
    %c0_i32 = arith.constant 0 : i32
    %c0_i32_0 = arith.constant 0 : i32
    %c0_i32_1 = arith.constant 0 : i32
    return %c0_i32, %c0_i32_0 : i32, i32
  }
  func.func @transform_2(%arg0: i32) -> (i32, i32) {
    %c0_i32 = arith.constant 0 : i32
    %c0_i32_0 = arith.constant 0 : i32
    return %arg0, %c0_i32 : i32, i32
  }
  func.func @transform_3(%arg0: i32) -> (i32, i32) {
    %c0_i32 = arith.constant 0 : i32
    %c0_i32_0 = arith.constant 0 : i32
    return %arg0, %c0_i32 : i32, i32
  }
  func.func @transform_4(%arg0: i32) -> (i32, i32) {
    %c0_i32 = arith.constant 0 : i32
    %c0_i32_0 = arith.constant 0 : i32
    return %arg0, %c0_i32 : i32, i32
  }
}

module attributes {stable_mosaic.version = 14 : i64} {
  func.func @_fuse_body(%arg0: i32, %arg1: memref<2x2000x128xf32, #tpu.memory_space<vmem>>, %arg2: memref<2000x128xf32, #tpu.memory_space<vmem>>, %arg3: memref<2000x128xf32, #tpu.memory_space<vmem>>, %arg4: memref<1x128xf32, #tpu.memory_space<vmem>>, %arg5: memref<128x128xf32, #tpu.memory_space<vmem>>, %arg6: memref<2000x128xf32, #tpu.memory_space<vmem>>) attributes {dimension_semantics = [#tpu.dimension_semantics<arbitrary>], iteration_bounds = array<i64: 5>, scalar_prefetch = 0 : i64, scratch_operands = 0 : i64, tpu.core_type = #tpu.core_type<tc>, window_params = [{transform_indices = @transform_0, window_bounds = array<i64: 2, 2000, 128>}, {transform_indices = @transform_1, window_bounds = array<i64: 2000, 128>}, {transform_indices = @transform_2, window_bounds = array<i64: 2000, 128>}, {pipeline_mode = #tpu.pipeline_mode<synchronous>, transform_indices = @transform_3, window_bounds = array<i64: 1, 128>}, {pipeline_mode = #tpu.pipeline_mode<synchronous>, transform_indices = @transform_4, window_bounds = array<i64: 128, 128>}, {transform_indices = @transform_5, window_bounds = array<i64: 2000, 128>}]} {
    %get3A = arith.constant 0 : index
    %get3A_0 = arith.constant 0 : index
    %get3A_1 = vector.load %arg3[%get3A, %get3A_0] : memref<2000x128xf32, #tpu.memory_space<vmem>>, vector<2000x128xf32>
    %get3A_2 = arith.constant 0 : index
    %get3A_3 = arith.constant 0 : index
    %get3A_4 = arith.constant 0 : index
    %get3A_5 = vector.load %arg1[%get3A_2, %get3A_3, %get3A_4] : memref<2x2000x128xf32, #tpu.memory_space<vmem>>, vector<1x2000x128xf32>
    %get3A_6 = vector.shape_cast %get3A_5 : vector<1x2000x128xf32> to vector<2000x128xf32>
    %get3A_7 = arith.constant 1 : index
    %get3A_8 = arith.constant 0 : index
    %get3A_9 = arith.constant 0 : index
    %get3A_10 = vector.load %arg1[%get3A_7, %get3A_8, %get3A_9] : memref<2x2000x128xf32, #tpu.memory_space<vmem>>, vector<1x2000x128xf32>
    %get3A_11 = vector.shape_cast %get3A_10 : vector<1x2000x128xf32> to vector<2000x128xf32>
    %add3A = arith.addf %get3A_6, %get3A_11 : vector<2000x128xf32>
    %get3A_12 = arith.constant 0 : index
    %get3A_13 = arith.constant 0 : index
    %get3A_14 = vector.load %arg2[%get3A_12, %get3A_13] : memref<2000x128xf32, #tpu.memory_space<vmem>>, vector<2000x128xf32>
    %add3A_15 = arith.addf %add3A, %get3A_14 : vector<2000x128xf32>
    %mul3A = arith.mulf %get3A_1, %add3A_15 : vector<2000x128xf32>
    %get3A_16 = arith.constant 0 : index
    %get3A_17 = arith.constant 0 : index
    %get3A_18 = vector.load %arg4[%get3A_16, %get3A_17] : memref<1x128xf32, #tpu.memory_space<vmem>>, vector<1x128xf32>
    %add3A_19 = vector.broadcast %get3A_18 : vector<1x128xf32> to vector<2000x128xf32>
    %add3A_20 = arith.addf %mul3A, %add3A_19 : vector<2000x128xf32>
    %max3A = arith.constant 0.000000e+00 : f32
    %max3A_21 = vector.broadcast %max3A : f32 to vector<2000x128xf32>
    %max3A_22 = arith.maximumf %add3A_20, %max3A_21 : vector<2000x128xf32>
    %get3A_23 = arith.constant 0 : index
    %get3A_24 = arith.constant 0 : index
    %get3A_25 = vector.load %arg5[%get3A_23, %get3A_24] : memref<128x128xf32, #tpu.memory_space<vmem>>, vector<128x128xf32>
    %dot_general3A = arith.constant dense<0.000000e+00> : vector<2000x128xf32>
    %dot_general3A_26 = tpu.matmul %max3A_22, %get3A_25, %dot_general3A {dimension_numbers = #tpu.dot_dimension_numbers<[1], [0], [0], [1], [0, 0, 1, 1], [], []>, transpose_lhs_hint = false} : vector<2000x128xf32>, vector<128x128xf32>, vector<2000x128xf32> -> vector<2000x128xf32>
    %get3A_27 = arith.constant 0 : index
    %get3A_28 = arith.constant 0 : index
    %get3A_29 = vector.load %arg3[%get3A_27, %get3A_28] : memref<2000x128xf32, #tpu.memory_space<vmem>>, vector<2000x128xf32>
    %mul3A_30 = arith.mulf %dot_general3A_26, %get3A_29 : vector<2000x128xf32>
    %swap3A = arith.constant 0 : index
    %swap3A_31 = arith.constant 0 : index
    %swap3A_32 = vector.load %arg6[%swap3A, %swap3A_31] : memref<2000x128xf32, #tpu.memory_space<vmem>>, vector<2000x128xf32>
    tpu.vector_store %arg6[%swap3A, %swap3A_31], %mul3A_30 {strides = array<i32>} : memref<2000x128xf32, #tpu.memory_space<vmem>>, vector<2000x128xf32>,
    return
  }
  func.func @transform_0(%arg0: i32) -> (i32, i32, i32) {
    %c0_i32 = arith.constant 0 : i32
    %c0_i32_0 = arith.constant 0 : i32
    %c0_i32_1 = arith.constant 0 : i32
    return %c0_i32, %arg0, %c0_i32_0 : i32, i32, i32
  }
  func.func @transform_1(%arg0: i32) -> (i32, i32) {
    %c0_i32 = arith.constant 0 : i32
    %c0_i32_0 = arith.constant 0 : i32
    return %arg0, %c0_i32 : i32, i32
  }
  func.func @transform_2(%arg0: i32) -> (i32, i32) {
    %c0_i32 = arith.constant 0 : i32
    %c0_i32_0 = arith.constant 0 : i32
    return %arg0, %c0_i32 : i32, i32
  }
  func.func @transform_3(%arg0: i32) -> (i32, i32) {
    %c0_i32 = arith.constant 0 : i32
    %c0_i32_0 = arith.constant 0 : i32
    %c0_i32_1 = arith.constant 0 : i32
    return %c0_i32, %c0_i32_0 : i32, i32
  }
  func.func @transform_4(%arg0: i32) -> (i32, i32) {
    %c0_i32 = arith.constant 0 : i32
    %c0_i32_0 = arith.constant 0 : i32
    %c0_i32_1 = arith.constant 0 : i32
    return %c0_i32, %c0_i32_0 : i32, i32
  }
  func.func @transform_5(%arg0: i32) -> (i32, i32) {
    %c0_i32 = arith.constant 0 : i32
    %c0_i32_0 = arith.constant 0 : i32
    return %arg0, %c0_i32 : i32, i32
  }
}

module attributes {stable_mosaic.version = 14 : i64} {
  func.func @_emean_body(%arg0: i32, %arg1: memref<5000x128xf32, #tpu.memory_space<vmem>>, %arg2: memref<1x1x128xf32, #tpu.memory_space<vmem>>) attributes {dimension_semantics = [#tpu.dimension_semantics<arbitrary>], iteration_bounds = array<i64: 8>, scalar_prefetch = 0 : i64, scratch_operands = 0 : i64, tpu.core_type = #tpu.core_type<tc>, window_params = [{transform_indices = @transform_0, window_bounds = array<i64: 5000, 128>}, {transform_indices = @transform_1, window_bounds = array<i64: 1, 1, 128>}]} {
    %get3A = arith.constant 0 : index
    %get3A_0 = arith.constant 0 : index
    %get3A_1 = vector.load %arg1[%get3A, %get3A_0] : memref<5000x128xf32, #tpu.memory_space<vmem>>, vector<5000x128xf32>
    %reduce_sum3A = arith.constant dense<0.000000e+00> : vector<128xf32>
    %reduce_sum3A_2 = vector.multi_reduction <add>, %get3A_1, %reduce_sum3A [0] : vector<5000x128xf32> to vector<128xf32>
    %broadcast_in_dim3A = vector.shape_cast %reduce_sum3A_2 : vector<128xf32> to vector<1x128xf32>
    %broadcast_in_dim3A_3 = vector.shape_cast %broadcast_in_dim3A : vector<1x128xf32> to vector<1x1x128xf32>
    %swap3A = arith.constant 0 : index
    %swap3A_4 = arith.constant 0 : index
    %swap3A_5 = arith.constant 0 : index
    %swap3A_6 = vector.load %arg2[%swap3A, %swap3A_4, %swap3A_5] : memref<1x1x128xf32, #tpu.memory_space<vmem>>, vector<1x1x128xf32>
    tpu.vector_store %arg2[%swap3A, %swap3A_4, %swap3A_5], %broadcast_in_dim3A_3 {strides = array<i32>} : memref<1x1x128xf32, #tpu.memory_space<vmem>>, vector<1x1x128xf32>,
    return
  }
  func.func @transform_0(%arg0: i32) -> (i32, i32) {
    %c0_i32 = arith.constant 0 : i32
    %c0_i32_0 = arith.constant 0 : i32
    return %arg0, %c0_i32 : i32, i32
  }
  func.func @transform_1(%arg0: i32) -> (i32, i32, i32) {
    %c0_i32 = arith.constant 0 : i32
    %c0_i32_0 = arith.constant 0 : i32
    %c0_i32_1 = arith.constant 0 : i32
    return %arg0, %c0_i32, %c0_i32_0 : i32, i32, i32
  }
}

module attributes {stable_mosaic.version = 14 : i64} {
  func.func @_head_body(%arg0: memref<2x10112x128xf32, #tpu.memory_space<vmem>>, %arg1: memref<10000x128xf32, #tpu.memory_space<vmem>>, %arg2: memref<10000x128xf32, #tpu.memory_space<vmem>>, %arg3: memref<1x128xf32, #tpu.memory_space<vmem>>, %arg4: memref<8x128xf32, #tpu.memory_space<vmem>>, %arg5: memref<16x128xf32, #tpu.memory_space<vmem>>, %arg6: memref<1x128xf32, #tpu.memory_space<vmem>>, %arg7: memref<80x125xi32, #tpu.memory_space<vmem>>, %arg8: memref<10256x128xi32, #tpu.memory_space<vmem>>, %arg9: memref<256x64xf32, #tpu.memory_space<vmem>>, %arg10: memref<1x64xf32, #tpu.memory_space<vmem>>, %arg11: memref<64x32xf32, #tpu.memory_space<vmem>>, %arg12: memref<1x32xf32, #tpu.memory_space<vmem>>, %arg13: memref<128x32xf32, #tpu.memory_space<vmem>>, %arg14: memref<10256x128xf32, #tpu.memory_space<vmem>>) attributes {dimension_semantics = [], scalar_prefetch = 0 : i64, scratch_operands = 1 : i64, tpu.core_type = #tpu.core_type<tc>} {
    %get3A = arith.constant 0 : index
    %get3A_0 = arith.constant 0 : index
    %get3A_1 = vector.load %arg4[%get3A, %get3A_0] : memref<8x128xf32, #tpu.memory_space<vmem>>, vector<8x128xf32>
    %reduce_sum3A = arith.constant dense<0.000000e+00> : vector<128xf32>
    %reduce_sum3A_2 = vector.multi_reduction <add>, %get3A_1, %reduce_sum3A [0] : vector<8x128xf32> to vector<128xf32>
    %slice3A = vector.extract_strided_slice %reduce_sum3A_2 {offsets = [0], sizes = [16], strides = [1]} : vector<128xf32> to vector<16xf32>
    %slice3A_3 = vector.extract_strided_slice %reduce_sum3A_2 {offsets = [16], sizes = [16], strides = [1]} : vector<128xf32> to vector<16xf32>
    %add3A = arith.addf %slice3A, %slice3A_3 : vector<16xf32>
    %slice3A_4 = vector.extract_strided_slice %reduce_sum3A_2 {offsets = [32], sizes = [16], strides = [1]} : vector<128xf32> to vector<16xf32>
    %add3A_5 = arith.addf %add3A, %slice3A_4 : vector<16xf32>
    %slice3A_6 = vector.extract_strided_slice %reduce_sum3A_2 {offsets = [48], sizes = [16], strides = [1]} : vector<128xf32> to vector<16xf32>
    %add3A_7 = arith.addf %add3A_5, %slice3A_6 : vector<16xf32>
    %slice3A_8 = vector.extract_strided_slice %reduce_sum3A_2 {offsets = [64], sizes = [16], strides = [1]} : vector<128xf32> to vector<16xf32>
    %add3A_9 = arith.addf %add3A_7, %slice3A_8 : vector<16xf32>
    %slice3A_10 = vector.extract_strided_slice %reduce_sum3A_2 {offsets = [80], sizes = [16], strides = [1]} : vector<128xf32> to vector<16xf32>
    %add3A_11 = arith.addf %add3A_9, %slice3A_10 : vector<16xf32>
    %slice3A_12 = vector.extract_strided_slice %reduce_sum3A_2 {offsets = [96], sizes = [16], strides = [1]} : vector<128xf32> to vector<16xf32>
    %add3A_13 = arith.addf %add3A_11, %slice3A_12 : vector<16xf32>
    %slice3A_14 = vector.extract_strided_slice %reduce_sum3A_2 {offsets = [112], sizes = [16], strides = [1]} : vector<128xf32> to vector<16xf32>
    %add3A_15 = arith.addf %add3A_13, %slice3A_14 : vector<16xf32>
    %mul3A = arith.constant 3.125000e-06 : f32
    %mul3A_16 = vector.broadcast %mul3A : f32 to vector<16xf32>
    %mul3A_17 = arith.mulf %add3A_15, %mul3A_16 : vector<16xf32>
    %get3A_18 = arith.constant 0 : index
    %get3A_19 = arith.constant 0 : index
    %get3A_20 = vector.load %arg5[%get3A_18, %get3A_19] : memref<16x128xf32, #tpu.memory_space<vmem>>, vector<16x128xf32>
    %broadcast_in_dim3A = vector.shape_cast %mul3A_17 : vector<16xf32> to vector<16x1xf32>
    %mul3A_21 = vector.broadcast %broadcast_in_dim3A : vector<16x1xf32> to vector<16x128xf32>
    %mul3A_22 = arith.mulf %get3A_20, %mul3A_21 : vector<16x128xf32>
    %reduce_sum3A_23 = arith.constant dense<0.000000e+00> : vector<128xf32>
    %reduce_sum3A_24 = vector.multi_reduction <add>, %mul3A_22, %reduce_sum3A_23 [0] : vector<16x128xf32> to vector<128xf32>
    %get3A_25 = arith.constant 0 : index
    %get3A_26 = arith.constant 0 : index
    %get3A_27 = vector.load %arg6[%get3A_25, %get3A_26] : memref<1x128xf32, #tpu.memory_space<vmem>>, vector<1x128xf32>
    %get3A_28 = vector.shape_cast %get3A_27 : vector<1x128xf32> to vector<128xf32>
    %add3A_29 = arith.addf %reduce_sum3A_24, %get3A_28 : vector<128xf32>
    %broadcast_in_dim3A_30 = vector.shape_cast %add3A_29 : vector<128xf32> to vector<1x128xf32>
    %get3A_31 = arith.constant 0 : index
    %get3A_32 = arith.constant 0 : index
    %get3A_33 = vector.load %arg2[%get3A_31, %get3A_32] : memref<10000x128xf32, #tpu.memory_space<vmem>>, vector<2000x128xf32>
    %get3A_34 = arith.constant 0 : index
    %get3A_35 = arith.constant 0 : index
    %get3A_36 = arith.constant 0 : index
    %get3A_37 = vector.load %arg0[%get3A_34, %get3A_35, %get3A_36] : memref<2x10112x128xf32, #tpu.memory_space<vmem>>, vector<1x2000x128xf32>
    %get3A_38 = vector.shape_cast %get3A_37 : vector<1x2000x128xf32> to vector<2000x128xf32>
    %get3A_39 = arith.constant 1 : index
    %get3A_40 = arith.constant 0 : index
    %get3A_41 = arith.constant 0 : index
    %get3A_42 = vector.load %arg0[%get3A_39, %get3A_40, %get3A_41] : memref<2x10112x128xf32, #tpu.memory_space<vmem>>, vector<1x2000x128xf32>
    %get3A_43 = vector.shape_cast %get3A_42 : vector<1x2000x128xf32> to vector<2000x128xf32>
    %add3A_44 = arith.addf %get3A_38, %get3A_43 : vector<2000x128xf32>
    %get3A_45 = arith.constant 0 : index
    %get3A_46 = arith.constant 0 : index
    %get3A_47 = vector.load %arg1[%get3A_45, %get3A_46] : memref<10000x128xf32, #tpu.memory_space<vmem>>, vector<2000x128xf32>
    %add3A_48 = arith.addf %add3A_44, %get3A_47 : vector<2000x128xf32>
    %mul3A_49 = arith.mulf %get3A_33, %add3A_48 : vector<2000x128xf32>
    %get3A_50 = arith.constant 0 : index
    %get3A_51 = arith.constant 0 : index
    %get3A_52 = vector.load %arg3[%get3A_50, %get3A_51] : memref<1x128xf32, #tpu.memory_space<vmem>>, vector<1x128xf32>
    %add3A_53 = vector.broadcast %get3A_52 : vector<1x128xf32> to vector<2000x128xf32>
    %add3A_54 = arith.addf %mul3A_49, %add3A_53 : vector<2000x128xf32>
    %max3A = arith.constant 0.000000e+00 : f32
    %max3A_55 = vector.broadcast %max3A : f32 to vector<2000x128xf32>
    %max3A_56 = arith.maximumf %add3A_54, %max3A_55 : vector<2000x128xf32>
    %add3A_57 = vector.broadcast %broadcast_in_dim3A_30 : vector<1x128xf32> to vector<2000x128xf32>
    %add3A_58 = arith.addf %max3A_56, %add3A_57 : vector<2000x128xf32>
    %swap3A = arith.constant 0 : index
    %swap3A_59 = arith.constant 0 : index
    %swap3A_60 = vector.load %arg14[%swap3A, %swap3A_59] : memref<10256x128xf32, #tpu.memory_space<vmem>>, vector<2000x128xf32>
    tpu.vector_store %arg14[%swap3A, %swap3A_59], %add3A_58 {strides = array<i32>} : memref<10256x128xf32, #tpu.memory_space<vmem>>, vector<2000x128xf32>,
    %get3A_61 = arith.constant 2000 : index
    %get3A_62 = arith.constant 0 : index
    %get3A_63 = vector.load %arg2[%get3A_61, %get3A_62] : memref<10000x128xf32, #tpu.memory_space<vmem>>, vector<2000x128xf32>
    %get3A_64 = arith.constant 0 : index
    %get3A_65 = arith.constant 2000 : index
    %get3A_66 = arith.constant 0 : index
    %get3A_67 = vector.load %arg0[%get3A_64, %get3A_65, %get3A_66] : memref<2x10112x128xf32, #tpu.memory_space<vmem>>, vector<1x2000x128xf32>
    %get3A_68 = vector.shape_cast %get3A_67 : vector<1x2000x128xf32> to vector<2000x128xf32>
    %get3A_69 = arith.constant 1 : index
    %get3A_70 = arith.constant 2000 : index
    %get3A_71 = arith.constant 0 : index
    %get3A_72 = vector.load %arg0[%get3A_69, %get3A_70, %get3A_71] : memref<2x10112x128xf32, #tpu.memory_space<vmem>>, vector<1x2000x128xf32>
    %get3A_73 = vector.shape_cast %get3A_72 : vector<1x2000x128xf32> to vector<2000x128xf32>
    %add3A_74 = arith.addf %get3A_68, %get3A_73 : vector<2000x128xf32>
    %get3A_75 = arith.constant 2000 : index
    %get3A_76 = arith.constant 0 : index
    %get3A_77 = vector.load %arg1[%get3A_75, %get3A_76] : memref<10000x128xf32, #tpu.memory_space<vmem>>, vector<2000x128xf32>
    %add3A_78 = arith.addf %add3A_74, %get3A_77 : vector<2000x128xf32>
    %mul3A_79 = arith.mulf %get3A_63, %add3A_78 : vector<2000x128xf32>
    %get3A_80 = arith.constant 0 : index
    %get3A_81 = arith.constant 0 : index
    %get3A_82 = vector.load %arg3[%get3A_80, %get3A_81] : memref<1x128xf32, #tpu.memory_space<vmem>>, vector<1x128xf32>
    %add3A_83 = vector.broadcast %get3A_82 : vector<1x128xf32> to vector<2000x128xf32>
    %add3A_84 = arith.addf %mul3A_79, %add3A_83 : vector<2000x128xf32>
    %max3A_85 = arith.constant 0.000000e+00 : f32
    %max3A_86 = vector.broadcast %max3A_85 : f32 to vector<2000x128xf32>
    %max3A_87 = arith.maximumf %add3A_84, %max3A_86 : vector<2000x128xf32>
    %add3A_88 = vector.broadcast %broadcast_in_dim3A_30 : vector<1x128xf32> to vector<2000x128xf32>
    %add3A_89 = arith.addf %max3A_87, %add3A_88 : vector<2000x128xf32>
    %swap3A_90 = arith.constant 2000 : index
    %swap3A_91 = arith.constant 0 : index
    %swap3A_92 = vector.load %arg14[%swap3A_90, %swap3A_91] : memref<10256x128xf32, #tpu.memory_space<vmem>>, vector<2000x128xf32>
    tpu.vector_store %arg14[%swap3A_90, %swap3A_91], %add3A_89 {strides = array<i32>} : memref<10256x128xf32, #tpu.memory_space<vmem>>, vector<2000x128xf32>,
    %get3A_93 = arith.constant 4000 : index
    %get3A_94 = arith.constant 0 : index
    %get3A_95 = vector.load %arg2[%get3A_93, %get3A_94] : memref<10000x128xf32, #tpu.memory_space<vmem>>, vector<2000x128xf32>
    %get3A_96 = arith.constant 0 : index
    %get3A_97 = arith.constant 4000 : index
    %get3A_98 = arith.constant 0 : index
    %get3A_99 = vector.load %arg0[%get3A_96, %get3A_97, %get3A_98] : memref<2x10112x128xf32, #tpu.memory_space<vmem>>, vector<1x2000x128xf32>
    %get3A_100 = vector.shape_cast %get3A_99 : vector<1x2000x128xf32> to vector<2000x128xf32>
    %get3A_101 = arith.constant 1 : index
    %get3A_102 = arith.constant 4000 : index
    %get3A_103 = arith.constant 0 : index
    %get3A_104 = vector.load %arg0[%get3A_101, %get3A_102, %get3A_103] : memref<2x10112x128xf32, #tpu.memory_space<vmem>>, vector<1x2000x128xf32>
    %get3A_105 = vector.shape_cast %get3A_104 : vector<1x2000x128xf32> to vector<2000x128xf32>
    %add3A_106 = arith.addf %get3A_100, %get3A_105 : vector<2000x128xf32>
    %get3A_107 = arith.constant 4000 : index
    %get3A_108 = arith.constant 0 : index
    %get3A_109 = vector.load %arg1[%get3A_107, %get3A_108] : memref<10000x128xf32, #tpu.memory_space<vmem>>, vector<2000x128xf32>
    %add3A_110 = arith.addf %add3A_106, %get3A_109 : vector<2000x128xf32>
    %mul3A_111 = arith.mulf %get3A_95, %add3A_110 : vector<2000x128xf32>
    %get3A_112 = arith.constant 0 : index
    %get3A_113 = arith.constant 0 : index
    %get3A_114 = vector.load %arg3[%get3A_112, %get3A_113] : memref<1x128xf32, #tpu.memory_space<vmem>>, vector<1x128xf32>
    %add3A_115 = vector.broadcast %get3A_114 : vector<1x128xf32> to vector<2000x128xf32>
    %add3A_116 = arith.addf %mul3A_111, %add3A_115 : vector<2000x128xf32>
    %max3A_117 = arith.constant 0.000000e+00 : f32
    %max3A_118 = vector.broadcast %max3A_117 : f32 to vector<2000x128xf32>
    %max3A_119 = arith.maximumf %add3A_116, %max3A_118 : vector<2000x128xf32>
    %add3A_120 = vector.broadcast %broadcast_in_dim3A_30 : vector<1x128xf32> to vector<2000x128xf32>
    %add3A_121 = arith.addf %max3A_119, %add3A_120 : vector<2000x128xf32>
    %swap3A_122 = arith.constant 4000 : index
    %swap3A_123 = arith.constant 0 : index
    %swap3A_124 = vector.load %arg14[%swap3A_122, %swap3A_123] : memref<10256x128xf32, #tpu.memory_space<vmem>>, vector<2000x128xf32>
    tpu.vector_store %arg14[%swap3A_122, %swap3A_123], %add3A_121 {strides = array<i32>} : memref<10256x128xf32, #tpu.memory_space<vmem>>, vector<2000x128xf32>,
    %get3A_125 = arith.constant 6000 : index
    %get3A_126 = arith.constant 0 : index
    %get3A_127 = vector.load %arg2[%get3A_125, %get3A_126] : memref<10000x128xf32, #tpu.memory_space<vmem>>, vector<2000x128xf32>
    %get3A_128 = arith.constant 0 : index
    %get3A_129 = arith.constant 6000 : index
    %get3A_130 = arith.constant 0 : index
    %get3A_131 = vector.load %arg0[%get3A_128, %get3A_129, %get3A_130] : memref<2x10112x128xf32, #tpu.memory_space<vmem>>, vector<1x2000x128xf32>
    %get3A_132 = vector.shape_cast %get3A_131 : vector<1x2000x128xf32> to vector<2000x128xf32>
    %get3A_133 = arith.constant 1 : index
    %get3A_134 = arith.constant 6000 : index
    %get3A_135 = arith.constant 0 : index
    %get3A_136 = vector.load %arg0[%get3A_133, %get3A_134, %get3A_135] : memref<2x10112x128xf32, #tpu.memory_space<vmem>>, vector<1x2000x128xf32>
    %get3A_137 = vector.shape_cast %get3A_136 : vector<1x2000x128xf32> to vector<2000x128xf32>
    %add3A_138 = arith.addf %get3A_132, %get3A_137 : vector<2000x128xf32>
    %get3A_139 = arith.constant 6000 : index
    %get3A_140 = arith.constant 0 : index
    %get3A_141 = vector.load %arg1[%get3A_139, %get3A_140] : memref<10000x128xf32, #tpu.memory_space<vmem>>, vector<2000x128xf32>
    %add3A_142 = arith.addf %add3A_138, %get3A_141 : vector<2000x128xf32>
    %mul3A_143 = arith.mulf %get3A_127, %add3A_142 : vector<2000x128xf32>
    %get3A_144 = arith.constant 0 : index
    %get3A_145 = arith.constant 0 : index
    %get3A_146 = vector.load %arg3[%get3A_144, %get3A_145] : memref<1x128xf32, #tpu.memory_space<vmem>>, vector<1x128xf32>
    %add3A_147 = vector.broadcast %get3A_146 : vector<1x128xf32> to vector<2000x128xf32>
    %add3A_148 = arith.addf %mul3A_143, %add3A_147 : vector<2000x128xf32>
    %max3A_149 = arith.constant 0.000000e+00 : f32
    %max3A_150 = vector.broadcast %max3A_149 : f32 to vector<2000x128xf32>
    %max3A_151 = arith.maximumf %add3A_148, %max3A_150 : vector<2000x128xf32>
    %add3A_152 = vector.broadcast %broadcast_in_dim3A_30 : vector<1x128xf32> to vector<2000x128xf32>
    %add3A_153 = arith.addf %max3A_151, %add3A_152 : vector<2000x128xf32>
    %swap3A_154 = arith.constant 6000 : index
    %swap3A_155 = arith.constant 0 : index
    %swap3A_156 = vector.load %arg14[%swap3A_154, %swap3A_155] : memref<10256x128xf32, #tpu.memory_space<vmem>>, vector<2000x128xf32>
    tpu.vector_store %arg14[%swap3A_154, %swap3A_155], %add3A_153 {strides = array<i32>} : memref<10256x128xf32, #tpu.memory_space<vmem>>, vector<2000x128xf32>,
    %get3A_157 = arith.constant 8000 : index
    %get3A_158 = arith.constant 0 : index
    %get3A_159 = vector.load %arg2[%get3A_157, %get3A_158] : memref<10000x128xf32, #tpu.memory_space<vmem>>, vector<2000x128xf32>
    %get3A_160 = arith.constant 0 : index
    %get3A_161 = arith.constant 8000 : index
    %get3A_162 = arith.constant 0 : index
    %get3A_163 = vector.load %arg0[%get3A_160, %get3A_161, %get3A_162] : memref<2x10112x128xf32, #tpu.memory_space<vmem>>, vector<1x2000x128xf32>
    %get3A_164 = vector.shape_cast %get3A_163 : vector<1x2000x128xf32> to vector<2000x128xf32>
    %get3A_165 = arith.constant 1 : index
    %get3A_166 = arith.constant 8000 : index
    %get3A_167 = arith.constant 0 : index
    %get3A_168 = vector.load %arg0[%get3A_165, %get3A_166, %get3A_167] : memref<2x10112x128xf32, #tpu.memory_space<vmem>>, vector<1x2000x128xf32>
    %get3A_169 = vector.shape_cast %get3A_168 : vector<1x2000x128xf32> to vector<2000x128xf32>
    %add3A_170 = arith.addf %get3A_164, %get3A_169 : vector<2000x128xf32>
    %get3A_171 = arith.constant 8000 : index
    %get3A_172 = arith.constant 0 : index
    %get3A_173 = vector.load %arg1[%get3A_171, %get3A_172] : memref<10000x128xf32, #tpu.memory_space<vmem>>, vector<2000x128xf32>
    %add3A_174 = arith.addf %add3A_170, %get3A_173 : vector<2000x128xf32>
    %mul3A_175 = arith.mulf %get3A_159, %add3A_174 : vector<2000x128xf32>
    %get3A_176 = arith.constant 0 : index
    %get3A_177 = arith.constant 0 : index
    %get3A_178 = vector.load %arg3[%get3A_176, %get3A_177] : memref<1x128xf32, #tpu.memory_space<vmem>>, vector<1x128xf32>
    %add3A_179 = vector.broadcast %get3A_178 : vector<1x128xf32> to vector<2000x128xf32>
    %add3A_180 = arith.addf %mul3A_175, %add3A_179 : vector<2000x128xf32>
    %max3A_181 = arith.constant 0.000000e+00 : f32
    %max3A_182 = vector.broadcast %max3A_181 : f32 to vector<2000x128xf32>
    %max3A_183 = arith.maximumf %add3A_180, %max3A_182 : vector<2000x128xf32>
    %add3A_184 = vector.broadcast %broadcast_in_dim3A_30 : vector<1x128xf32> to vector<2000x128xf32>
    %add3A_185 = arith.addf %max3A_183, %add3A_184 : vector<2000x128xf32>
    %swap3A_186 = arith.constant 8000 : index
    %swap3A_187 = arith.constant 0 : index
    %swap3A_188 = vector.load %arg14[%swap3A_186, %swap3A_187] : memref<10256x128xf32, #tpu.memory_space<vmem>>, vector<2000x128xf32>
    tpu.vector_store %arg14[%swap3A_186, %swap3A_187], %add3A_185 {strides = array<i32>} : memref<10256x128xf32, #tpu.memory_space<vmem>>, vector<2000x128xf32>,
    %get3A_189 = arith.constant 0 : index
    %get3A_190 = arith.constant 0 : index
    %get3A_191 = vector.load %arg7[%get3A_189, %get3A_190] : memref<80x125xi32, #tpu.memory_space<vmem>>, vector<80x125xi32>
    %iota3A = tpu.iota {dimensions = array<i32: 0>} : vector<128x1xi32>
    %broadcast_in_dim3A_192 = arith.constant 0.000000e+00 : f32
    %broadcast_in_dim3A_193 = vector.broadcast %broadcast_in_dim3A_192 : f32 to vector<128x256xf32>
    %scan3A = arith.constant -3.000000e+38 : f32
    %scan3A_194 = arith.constant 0 : i32
    %scan3A_195 = arith.constant 0 : i32
    %scan3A_196 = arith.constant 128 : i32
    %scan3A_197 = arith.addi %scan3A_195, %scan3A_196 : i32
    %scan3A_198 = arith.constant 1 : i32
    %scan3A_199:2 = scf.for %scan3A_226 = %scan3A_195 to %scan3A_197 step %scan3A_198 iter_args(%scan3A_227 = %scan3A_194, %scan3A_228 = %broadcast_in_dim3A_193) -> (i32, vector<128x256xf32>)  : i32 {
      %eq3A = vector.broadcast %scan3A_226 : i32 to vector<80x125xi32>
      %eq3A_229 = arith.cmpi eq, %get3A_191, %eq3A : vector<80x125xi32>
      %jit3A = arith.constant 1 : i32
      %jit3A_230 = arith.constant 0 : i32
      %broadcast_in_dim3A_231 = vector.broadcast %jit3A : i32 to vector<80x125xi32>
      %broadcast_in_dim3A_232 = vector.broadcast %jit3A_230 : i32 to vector<80x125xi32>
      %select_n3A = arith.select %eq3A_229, %broadcast_in_dim3A_231, %broadcast_in_dim3A_232 : vector<80x125xi1>, vector<80x125xi32>
      %reduce_sum3A_233 = vector.shape_cast %select_n3A : vector<80x125xi32> to vector<1x80x125xi32>
      %reduce_sum3A_234 = arith.constant dense<0> : vector<1xi32>
      %reduce_sum3A_235 = vector.multi_reduction <add>, %reduce_sum3A_233, %reduce_sum3A_234 [1, 2] : vector<1x80x125xi32> to vector<1xi32>
      %reduce_sum3A_236 = vector.shape_cast %reduce_sum3A_235 : vector<1xi32> to vector<1x1x1xi32>
      %reduce_sum3A_237 = vector.extract %reduce_sum3A_236[0, 0, 0] : i32 from vector<1x1x1xi32>
      %add3A_238 = arith.addi %scan3A_227, %reduce_sum3A_237 : i32
      %jit3A_239 = arith.constant 256 : i32
      %div3A = arith.divsi %scan3A_227, %jit3A_239 : i32
      %sign3A = arith.constant 0 : i32
      %sign3A_240 = arith.cmpi sgt, %scan3A_227, %sign3A : i32
      %sign3A_241 = arith.extui %sign3A_240 : i1 to i32
      %sign3A_242 = arith.constant 0 : i32
      %sign3A_243 = arith.cmpi slt, %scan3A_227, %sign3A_242 : i32
      %sign3A_244 = arith.extui %sign3A_243 : i1 to i32
      %sign3A_245 = arith.subi %sign3A_241, %sign3A_244 : i32
      %sign3A_246 = arith.constant 0 : i32
      %sign3A_247 = arith.cmpi sgt, %jit3A_239, %sign3A_246 : i32
      %sign3A_248 = arith.extui %sign3A_247 : i1 to i32
      %sign3A_249 = arith.constant 0 : i32
      %sign3A_250 = arith.cmpi slt, %jit3A_239, %sign3A_249 : i32
      %sign3A_251 = arith.extui %sign3A_250 : i1 to i32
      %sign3A_252 = arith.subi %sign3A_248, %sign3A_251 : i32
      %ne3A = arith.cmpi ne, %sign3A_245, %sign3A_252 : i32
      %rem3A = arith.remsi %scan3A_227, %jit3A_239 : i32
      %ne3A_253 = arith.constant 0 : i32
      %ne3A_254 = arith.cmpi ne, %rem3A, %ne3A_253 : i32
      %and3A = arith.andi %ne3A, %ne3A_254 : i1
      %sub3A = arith.constant 1 : i32
      %sub3A_255 = arith.subi %div3A, %sub3A : i32
      %select_n3A_256 = arith.select %and3A, %sub3A_255, %div3A : i32
      %mul3A_257 = arith.constant 256 : i32
      %mul3A_258 = arith.muli %select_n3A_256, %mul3A_257 : i32
      %broadcast_in_dim3A_259 = vector.broadcast %scan3A : f32 to vector<256x128xf32>
      %broadcast_in_dim3A_260 = arith.constant 0.000000e+00 : f32
      %broadcast_in_dim3A_261 = vector.broadcast %broadcast_in_dim3A_260 : f32 to vector<256x128xf32>
      %while3A:3 = scf.while (%while3A_282 = %mul3A_258, %while3A_283 = %broadcast_in_dim3A_259, %while3A_284 = %broadcast_in_dim3A_261) : (i32, vector<256x128xf32>, vector<256x128xf32>) -> (i32, vector<256x128xf32>, vector<256x128xf32>) {
        %lt3A = arith.cmpi slt, %while3A_282, %add3A_238 : i32
        scf.condition(%lt3A) %while3A_282, %while3A_283, %while3A_284 : i32, vector<256x128xf32>, vector<256x128xf32>
      } do {
      ^bb0(%while3A_282: i32, %while3A_283: vector<256x128xf32>, %while3A_284: vector<256x128xf32>):
        %multiple_of3A = tpu.assume_multiple %while3A_282, 256 : i32
        %get3A_285 = arith.index_cast %multiple_of3A : i32 to index
        %get3A_286 = arith.constant 0 : index
        %get3A_287 = vector.load %arg14[%get3A_285, %get3A_286] : memref<10256x128xf32, #tpu.memory_space<vmem>>, vector<256x128xf32>
        %get3A_288 = arith.index_cast %multiple_of3A : i32 to index
        %get3A_289 = arith.constant 0 : index
        %get3A_290 = vector.load %arg8[%get3A_288, %get3A_289] : memref<10256x128xi32, #tpu.memory_space<vmem>>, vector<256x128xi32>
        %eq3A_291 = vector.broadcast %scan3A_226 : i32 to vector<256x128xi32>
        %eq3A_292 = arith.cmpi eq, %get3A_290, %eq3A_291 : vector<256x128xi32>
        %broadcast_in_dim3A_293 = vector.broadcast %scan3A : f32 to vector<256x128xf32>
        %select_n3A_294 = arith.select %eq3A_292, %get3A_287, %broadcast_in_dim3A_293 : vector<256x128xi1>, vector<256x128xf32>
        %max3A_295 = arith.maximumf %while3A_283, %select_n3A_294 : vector<256x128xf32>
        %jit3A_296 = arith.constant 0.000000e+00 : f32
        %broadcast_in_dim3A_297 = vector.broadcast %jit3A_296 : f32 to vector<256x128xf32>
        %select_n3A_298 = arith.select %eq3A_292, %get3A_287, %broadcast_in_dim3A_297 : vector<256x128xi1>, vector<256x128xf32>
        %add3A_299 = arith.addf %while3A_284, %select_n3A_298 : vector<256x128xf32>
        %add3A_300 = arith.constant 256 : i32
        %add3A_301 = arith.addi %while3A_282, %add3A_300 : i32
        scf.yield %add3A_301, %max3A_295, %add3A_299 : i32, vector<256x128xf32>, vector<256x128xf32>
      }
      %reduce_max3A = arith.constant dense<0xFF800000> : vector<128xf32>
      %reduce_max3A_262 = vector.multi_reduction <maximumf>, %while3A#1, %reduce_max3A [0] : vector<256x128xf32> to vector<128xf32>
      %broadcast_in_dim3A_263 = vector.shape_cast %reduce_max3A_262 : vector<128xf32> to vector<1x128xf32>
      %reduce_sum3A_264 = arith.constant dense<0.000000e+00> : vector<128xf32>
      %reduce_sum3A_265 = vector.multi_reduction <add>, %while3A#2, %reduce_sum3A_264 [0] : vector<256x128xf32> to vector<128xf32>
      %broadcast_in_dim3A_266 = vector.shape_cast %reduce_sum3A_265 : vector<128xf32> to vector<1x128xf32>
      %gt3A = arith.constant 0 : i32
      %gt3A_267 = arith.cmpi sgt, %reduce_sum3A_237, %gt3A : i32
      %jit3A_268 = arith.constant 0.000000e+00 : f32
      %broadcast_in_dim3A_269 = vector.broadcast %jit3A_268 : f32 to vector<1x128xf32>
      %select_n3A_270 = arith.select %gt3A_267, %broadcast_in_dim3A_263, %broadcast_in_dim3A_269 : vector<1x128xf32>
      %convert_element_type3A = arith.sitofp %reduce_sum3A_237 : i32 to f32
      %max3A_271 = arith.constant 1.000000e+00 : f32
      %max3A_272 = arith.maximumf %convert_element_type3A, %max3A_271 : f32
      %div3A_273 = vector.broadcast %max3A_272 : f32 to vector<1x128xf32>
      %div3A_274 = arith.divf %broadcast_in_dim3A_266, %div3A_273 : vector<1x128xf32>
      %concatenate3A = tpu.concatenate %select_n3A_270, %div3A_274 in 1 : vector<1x128xf32>, vector<1x128xf32> -> vector<1x256xf32>
      %eq3A_275 = vector.broadcast %scan3A_226 : i32 to vector<128x1xi32>
      %eq3A_276 = arith.cmpi eq, %iota3A, %eq3A_275 : vector<128x1xi32>
      %broadcast_in_dim3A_277 = vector.shape_cast %eq3A_276 : vector<128x1xi1> to vector<128x1xi1>
      %broadcast_in_dim3A_278 = vector.broadcast %broadcast_in_dim3A_277 : vector<128x1xi1> to vector<128x256xi1>
      %broadcast_in_dim3A_279 = vector.shape_cast %concatenate3A : vector<1x256xf32> to vector<1x256xf32>
      %broadcast_in_dim3A_280 = vector.broadcast %broadcast_in_dim3A_279 : vector<1x256xf32> to vector<128x256xf32>
      %select_n3A_281 = arith.select %broadcast_in_dim3A_278, %broadcast_in_dim3A_280, %scan3A_228 : vector<128x256xi1>, vector<128x256xf32>
      scf.yield %add3A_238, %select_n3A_281 : i32, vector<128x256xf32>
    }
    %scan3A_200 = arith.constant 128 : i32
    %get3A_201 = arith.constant 0 : index
    %get3A_202 = arith.constant 0 : index
    %get3A_203 = vector.load %arg9[%get3A_201, %get3A_202] : memref<256x64xf32, #tpu.memory_space<vmem>>, vector<256x64xf32>
    %dot_general3A = arith.constant dense<0.000000e+00> : vector<128x64xf32>
    %dot_general3A_204 = tpu.matmul %scan3A_199#1, %get3A_203, %dot_general3A {dimension_numbers = #tpu.dot_dimension_numbers<[1], [0], [0], [1], [0, 0, 1, 1], [], []>, transpose_lhs_hint = false} : vector<128x256xf32>, vector<256x64xf32>, vector<128x64xf32> -> vector<128x64xf32>
    %get3A_205 = arith.constant 0 : index
    %get3A_206 = arith.constant 0 : index
    %get3A_207 = vector.load %arg10[%get3A_205, %get3A_206] : memref<1x64xf32, #tpu.memory_space<vmem>>, vector<1x64xf32>
    %add3A_208 = vector.broadcast %get3A_207 : vector<1x64xf32> to vector<128x64xf32>
    %add3A_209 = arith.addf %dot_general3A_204, %add3A_208 : vector<128x64xf32>
    %max3A_210 = arith.constant 0.000000e+00 : f32
    %max3A_211 = vector.broadcast %max3A_210 : f32 to vector<128x64xf32>
    %max3A_212 = arith.maximumf %add3A_209, %max3A_211 : vector<128x64xf32>
    %get3A_213 = arith.constant 0 : index
    %get3A_214 = arith.constant 0 : index
    %get3A_215 = vector.load %arg11[%get3A_213, %get3A_214] : memref<64x32xf32, #tpu.memory_space<vmem>>, vector<64x32xf32>
    %dot_general3A_216 = arith.constant dense<0.000000e+00> : vector<128x32xf32>
    %dot_general3A_217 = tpu.matmul %max3A_212, %get3A_215, %dot_general3A_216 {dimension_numbers = #tpu.dot_dimension_numbers<[1], [0], [0], [1], [0, 0, 1, 1], [], []>, transpose_lhs_hint = false} : vector<128x64xf32>, vector<64x32xf32>, vector<128x32xf32> -> vector<128x32xf32>
    %get3A_218 = arith.constant 0 : index
    %get3A_219 = arith.constant 0 : index
    %get3A_220 = vector.load %arg12[%get3A_218, %get3A_219] : memref<1x32xf32, #tpu.memory_space<vmem>>, vector<1x32xf32>
    %add3A_221 = vector.broadcast %get3A_220 : vector<1x32xf32> to vector<128x32xf32>
    %add3A_222 = arith.addf %dot_general3A_217, %add3A_221 : vector<128x32xf32>
    %swap3A_223 = arith.constant 0 : index
    %swap3A_224 = arith.constant 0 : index
    %swap3A_225 = vector.load %arg13[%swap3A_223, %swap3A_224] : memref<128x32xf32, #tpu.memory_space<vmem>>, vector<128x32xf32>
    tpu.vector_store %arg13[%swap3A_223, %swap3A_224], %add3A_222 {strides = array<i32>} : memref<128x32xf32, #tpu.memory_space<vmem>>, vector<128x32xf32>,
    return
  }
}

</mosaic_0001>

<sc_bundles>
// kernel: kernel.11.cloned.1.call-start
scs
__scs_entry_jumppad:
0x0: {  	(pc) =	sbr.rel $0x88, $3  }
0x1: {  	(tag) =	ssettag $0x0;
	lr =	simm.s32 $0x1  }
0x2: {  	[smem:$0x3F91] =	sst lr;
	_ =	strace $0xD0000000  }
0x3: {  	_ = 	snop  }
0x4: {  	_ = 	snop  }
0x5: {  	_ = 	snop  }
0x6: {  	_ = 	snop  }
0x7: {  	_ = 	snop  }
__scs_overlays_trampoline_lowered:
0x8: {  	[smem:$0x3FA0] =	sst s0  }
0x9: {  	[smem:$0x3FA1] =	sst s1  }
0xa: {  	[smem:$0x3FA2] =	sst s2  }
0xb: {  	[smem:$0x3FA3] =	sst s3  }
0xc: {  	[smem:$0x3FA4] =	sst s4  }
0xd: {  	[smem:$0x3FA5] =	sst s5  }
0xe: {  	[smem:$0x3FA6] =	sst s6  }
0xf: {  	[smem:$0x3FA7] =	sst s7  }
0x10: {  	[smem:$0x3FA8] =	sst s8  }
0x11: {  	[smem:$0x3FA9] =	sst s9;
	s0 =	simm.s32 @!p0 $0x0  }
0x12: {  	s1 =	sld [smem:$0x3F8F];
	s0 =	simm.s32 @p0 $0x1  }
0x13: {  	[smem:$0x3FAA] =	sst s0;
	s0 =	simm.s32 @!p1 $0x0  }
0x14: {  	s2 =	sld [smem:$0x3F8E];
	s0 =	simm.s32 @p1 $0x1  }
0x15: {  	[smem:$0x3FAB] =	sst s0;
	s0 =	simm.s32 @!p2 $0x0  }
0x16: {  	s3 =	sld [smem:$0x3FDB];
	s0 =	simm.s32 @p2 $0x1  }
0x17: {  	s4 =	simm.s32 $0x1BF5;
	[smem:$0x3FAD] =	sst s0  }
0x18: {  	s0 =	sld [smem:$0x3F90];
	_ =	swait.ge [sflag:s4], $0x0  }
0x19: {  	s7 =	sld [smem:$0x3F91]  }
0x1a: {  	s8 =	sadd.s32 $0xFFFFE003, lr  }
0x1b: {  	s9 =	sadd.s32 $0xFFFFFEF7, lr;
	s5 =	simm.s32 $0xFFFFFFFF;
	p2 =	slt.u32 s8, $0xFFFFF086  }
0x1c: {  	p1 =	slt.u32 s9, $0xF7A;
	s5 =	simm.s32 @!p2 $0x0  }
0x1d: {  	s5 =	simm.s32 @p1 $0x1;
	p0 =	seq.s32 s7, s2  }
0x1e: {  	s7 =	smul.u32 @!p0 $0xF7A, s2;
	p2 =	seq.s32 @!p0 s5, $0x0  }
0x1f: {  	s9 =	smul.u32 $0xF7A, s1;
	s8 =	simm.s32 @!p0 $0x1BF5;
	p2 =	por !p2, p0  }
0x20: {  	[sflag:s8] =	ssyncset.s32 @!p0 $0xFFFFF086;
	s6 =	sadd.s32 @!p0 s3, s7;
	s7 =	simm.s32 @!p0 $0x108  }
0x21: {  	s3 =	sadd.s32 s3, s9;
	s6 =	sadd.s32 @!p0 $0x88, s6;
	s7 =	simm.s32 @p2 $0x1082  }
0x22: {  	[simem:s7], [sflag:s8] =	dma.local @!p0 [hbm:s6], $0xF7A  }
0x23: {  	s9 =	sor.u32 $0xD0000000, s2;
	s6 =	simm.s32 $0x108;
	_ =	swait.ge @!p0 [sflag:s8], $0x0  }
0x24: {  	s3 =	sadd.s32 $0x88, s3;
	s6 =	simm.s32 @!p1 $0x1082;
	[sflag:s4] =	ssyncset.s32 $0xFFFFF086  }
0x25: {  	[simem:s6], [sflag:s4] =	dma.local [hbm:s3], $0xF7A  }
0x26: {  	[smem:$0x3F91] =	sst s1;
	(tag) =	ssettag s2;
	_ =	strace s9  }
0x27: {  	s1 =	sld [smem:$0x3FA1]  }
0x28: {  	s2 =	sld [smem:$0x3FA2]  }
0x29: {  	s4 =	sld [smem:$0x3FA4]  }
0x2a: {  	p0 =	seq.s32 s5, $0x0;
	s5 =	sld [smem:$0x3FA5]  }
0x2b: {  	s6 =	sld [smem:$0x3FA6]  }
0x2c: {  	s7 =	sld [smem:$0x3FA7]  }
0x2d: {  	s3 =	simm.s32 $0x108;
	s8 =	sld [smem:$0x3FA8]  }
0x2e: {  	s3 =	simm.s32 @!p0 $0x1082;
	s9 =	sld [smem:$0x3FA9]  }
0x2f: {  	lr =	sadd.s32 s0, s3;
	s0 =	sld [smem:$0x3FA0]  }
0x30: {  	s3 =	sld [smem:$0x3FA3]  }
0x31: {  	[smem:$0x3FAC] =	sst s10  }
0x32: {  	s10 =	sld [smem:$0x3FAA];
	_ =	sdelay $0x3  }
0x33: {  	p0 =	seq.s32 s10, $0x1;
	s10 =	sld [smem:$0x3FAC];
	_ =	sdelay $0x3  }
0x34: {  	[smem:$0x3FAC] =	sst s10  }
0x35: {  	s10 =	sld [smem:$0x3FAB];
	_ =	sdelay $0x3  }
0x36: {  	p1 =	seq.s32 s10, $0x1;
	s10 =	sld [smem:$0x3FAC];
	_ =	sdelay $0x3  }
0x37: {  	[smem:$0x3FAC] =	sst s10  }
0x38: {  	s10 =	sld [smem:$0x3FAD]  }
0x39: {  	_ = 	snop;
	(pc) =	sbr.ind lr, $3  }
0x3a: {  	_ = 	snop  }
0x3b: {  	_ = 	snop  }
0x3c: {  	p2 =	seq.s32 s10, $0x1;
	s10 =	sld [smem:$0x3FAC]  }
0x3d: {  	_ =	shalt  }
0x3e: {  	_ =	shalt  }
0x3f: {  	_ =	shalt  }
0x40: {  	_ =	shalt  }
0x41: {  	_ =	shalt  }
0x42: {  	_ =	shalt  }
0x43: {  	_ =	shalt  }
0x44: {  	_ =	shalt  }
0x45: {  	_ =	shalt  }
0x46: {  	_ =	shalt  }
0x47: {  	_ =	shalt  }
0x48: {  	_ =	shalt  }
0x49: {  	_ =	shalt  }
0x4a: {  	_ =	shalt  }
0x4b: {  	_ =	shalt  }
0x4c: {  	_ =	shalt  }
0x4d: {  	_ =	shalt  }
0x4e: {  	_ =	shalt  }
0x4f: {  	_ =	shalt  }
0x50: {  	_ =	shalt  }
0x51: {  	_ =	shalt  }
0x52: {  	_ =	shalt  }
0x53: {  	_ =	shalt  }
0x54: {  	_ =	shalt  }
0x55: {  	_ =	shalt  }
0x56: {  	_ =	shalt  }
0x57: {  	_ =	shalt  }
0x58: {  	_ =	shalt  }
0x59: {  	_ =	shalt  }
0x5a: {  	_ =	shalt  }
0x5b: {  	_ =	shalt  }
0x5c: {  	_ =	shalt  }
0x5d: {  	_ =	shalt  }
0x5e: {  	_ =	shalt  }
0x5f: {  	_ =	shalt  }
0x60: {  	_ =	shalt  }
0x61: {  	_ =	shalt  }
0x62: {  	_ =	shalt  }
0x63: {  	_ =	shalt  }
0x64: {  	_ =	shalt  }
0x65: {  	_ =	shalt  }
0x66: {  	_ =	shalt  }
0x67: {  	_ =	shalt  }
0x68: {  	_ =	shalt  }
0x69: {  	_ =	shalt  }
0x6a: {  	_ =	shalt  }
0x6b: {  	_ =	shalt  }
0x6c: {  	_ =	shalt  }
0x6d: {  	_ =	shalt  }
0x6e: {  	_ =	shalt  }
0x6f: {  	_ =	shalt  }
0x70: {  	_ =	shalt  }
0x71: {  	_ =	shalt  }
0x72: {  	_ =	shalt  }
0x73: {  	_ =	shalt  }
0x74: {  	_ =	shalt  }
0x75: {  	_ =	shalt  }
0x76: {  	_ =	shalt  }
0x77: {  	_ =	shalt  }
0x78: {  	_ =	shalt  }
0x79: {  	_ =	shalt  }
0x7a: {  	_ =	shalt  }
0x7b: {  	_ =	shalt  }
0x7c: {  	_ =	shalt  }
0x7d: {  	_ =	shalt  }
0x7e: {  	_ =	shalt  }
0x7f: {  	_ =	shalt  }
0x80: {  	_ =	shalt  }
0x81: {  	_ =	shalt  }
0x82: {  	_ =	shalt  }
0x83: {  	_ =	shalt  }
0x84: {  	_ =	shalt  }
0x85: {  	_ =	shalt  }
0x86: {  	_ =	shalt  }
0x87: {  	_ =	shalt  }
.Lfunc_end0:
.L_simem_size_0:
called_computation_lowered:
.L_overlay_start_0:
0x88: {  	s2 =	sld [smem:$0x3FD9]  }
0x89: {  	s3 =	sld [smem:$0x3FFE];
	_ =	sdelay $0x1  }
0x8a: {  	s1 =	srdreg.scid  }
0x8b: {  	s0 =	sand.u32 $0x1, s1  }
0x8c: {  	s16 =	sshll.u32 s0, $0xA;
	s2 =	sadd.s32 s3, s2  }
0x8d: {  	s2 =	sadd.s32 s2, s16  }
0x8e: {  	[smem:$0x3FB8] =	sst s2  }
0x8f: {  	_ = 	snop  }
0x90: {  	(tm) =	ssettm $0x1  }
0x91: {  	s17 =	sld [smem:$0x3FFB];
	_ =	sdelay $0x3  }
0x92: {  	_ =	strace s17  }
0x93: {  	s2 =	sld [smem:$0x3FFC];
	_ =	sdelay $0x3  }
0x94: {  	_ =	strace s2  }
0x95: {  	s2 =	sld [smem:$0x3FFD];
	_ =	sdelay $0x3  }
0x96: {  	_ =	strace s2  }
0x97: {  	_ =	strace $0x8FFFFFFF  }
0x98: {  	s18 =	sld [smem:$0x3FDB];
	_ =	sdelay $0x1  }
0x99: {  	s19 =	simm.s32 $_scs_section_size  }
0x9a: {  	s4 =	simm.s32 $_size__tile_overlayer_lowered;
	s5 =	simm.s32 $_tile_overlayer_lowered  }
0x9b: {  	s22 =	simm.s32 $0x1BFF;
	s21 =	sshll.u32 s5, $0x1;
	s2 =	sadd.s32 s19, s18  }
0x9c: {  	s6 =	simm.s32 $0x0;
	s20 =	sshll.u32 s4, $0x1;
	s4 =	sadd.s32 s21, s2  }
0x9d: {  	[timem:s6], [sflag:s22] =	dma.local [hbm:s4], s20  }
0x9e: {  	_ =	swait.ge [sflag:s22], s20  }
0x9f: {  	s3 =	ssub.s32 $0x0, s20;
	[sflag:s22] =	ssyncset.done $0x0  }
0xa0: {  	[sflag:s22] =	ssyncadd.s32 s3;
	_ =	sdelay $0x1  }
0xa1: {  	s23 =	simm.s32 $0x1B8B  }
0xa2: {  	_ =	swait.ge [sflag:s23], $0x1  }
0xa3: {  	[sflag:s23] =	ssyncset.done $0x0  }
0xa4: {  	s25 =	simm.s32 $0x1B8E;
	s24 =	sld [smem:$0x3FFE];
	[sflag:s23] =	ssyncadd.s32 $0xFFFFFFFF  }
0xa5: {  	s26 =	simm.s32 $execute0_lowered;
	[smem:$0x3FD2] =	sst s25  }
0xa6: {  	s4 =	sshll.u32 s26, $0x1;
	_ =	strace $0x80000046;
	[dreg:$0x1] =	wrdreg $0xFFFFFFFF  }
0xa7: {  	s28 =	simm.s32 $_size_execute0_lowered;
	s2 =	sadd.s32 s2, s4;
	[dreg:$0x0] =	wrdreg $0x0  }
0xa8: {  	s4 =	sshll.u32 s28, $0x1;
	[dreg:$0x2] =	wrdreg s2  }
0xa9: {  	[dreg:$0x3] =	wrdreg s4  }
0xaa: {  	[dreg:$0x4] =	wrdreg $0xC0  }
0xab: {  	_ =	task [dreg:s6], $0x5FFFF  }
0xac: {  	[dreg:$0x1] =	wrdreg $0xFFFFFFFF  }
0xad: {  	[dreg:$0x0] =	wrdreg $0x60  }
0xae: {  	[dreg:$0x2] =	wrdreg s24  }
0xaf: {  	[dreg:$0x3] =	wrdreg $0x9  }
0xb0: {  	_ =	task.clear_ibuf [dreg:s6], $0x4FFFF;
	_ =	strace $0x90000046  }
0xb1: {  	s29 =	simm.s32 $0x9;
	_ =	strace $0x80000048  }
0xb2: {  	_ =	swait.ge [sflag:s29], $0x1  }
0xb3: {  	[sflag:s29] =	ssyncadd.s32 $0xFFFFFFFF  }
0xb4: {  	_ =	strace $0x90000048  }
0xb5: {  	_ =	sfence  }
0xb6: {  	s30 =	sld [smem:$0x0];
	_ =	sdelay $0x2  }
0xb7: {  	s31 =	sshll.u32 s1, $0xD;
	s1 =	sshrl.u32 s1, $0x2  }
0xb8: {  	s3 =	sand.u32 $0x4000, s31;
	s1 =	sadd.s32 s1, s30  }
0xb9: {  	s0 =	sor.u32 s3, s0;
	s1 =	sshll.u32 s1, $0x11  }
0xba: {  	s0 =	sor.u32 s1, s0  }
0xbb: {  	s0 =	sadd.s32 $0x8F2B, s0  }
0xbc: {  	[sflag:s0] =	ssyncadd.remote.s32 $0x1  }
0xbd: {  	_ =	sfence.sel $0xFFFF  }
0xbe: {  	[dreg:$0x0] =	wrdreg $0xFFFFFFFF;
	(pc) =	sbr.abs _section_cstart, $3  }
0xbf: {  	[dreg:$0x1] =	wrdreg $0xFFFFFFFF  }
0xc0: {  	_ =	task.clear_ibuf [dreg:s6], $0x2FFFF;
	_ =	strace $0x9FFFFFFF  }
0xc1: {  	(tm) =	ssettm $0x7FFFFFFF  }
tec
execute0_lowered:
.L_overlay_start_1:
0x0: {  	(tag) =	ssettag $0x1  }
0x1: {  	s0 =	srdreg.scid  }
0x2: {  	s5 =	rddreg [dreg:$0x0];
	s3 =	sand.u32 $0x1, s0  }
0x3: {  	s2 =	simm.s32 $0x0;
	s0 =	stileid.u32;
	s1 =	sshll.u32 s3, $0x4  }
0x4: {  	s8 =	simm.s32 $0x80;
	s9 =	simm.s32 $0x400;
	s4 =	sor.u32 s0, s1  }
0x5: {  	s10 =	simm.s32 $0x0;
	[smem:$0x7FF] =	sst s2;
	s1 =	sshrl.u32 s4, $0x3  }
0x6: {  	s7 =	sshll.u32 s0, $0x7;
	s3 =	ssub.s32 $0x2, s3;
	s6 =	smul.u32 $0x13C00, s1  }
0x7: {  	s7 =	sand.u32 $0x380, s7;
	s31 =	sshrl.u32 s3, $0x1;
	s4 =	smul.u32 $0x500, s4  }
0x8: {  	s1 =	rddreg [dreg:$0x1];
	_ =	strace $0x80000047;
	s6 =	sor.u32 s7, s6  }
0x9: {  	s4 =	sadd.s32 s4, s5;
	s7 =	simm.s32 $0x2800;
	s6 =	sshrl.u32 s6, $0x3  }
0xa: {  	s5 =	sadd.s32 s6, s5;
	s6 =	ssub.s32 s3, s31;
	s3 =	sadd.s32 $0x5800, s4  }
0xb: {  	v0 =	vimm.f32 $0.0e+00;
	v1 =	vimm.f32 $1.000000000e+00;
	s4 =	sadd.s32 $0xF800, s5;
	s5 =	smax.u32 s6, $0x1;
	s6 =	simm.s32 $0x1  }
.LBB2_1:
0xc: {  	[tilespmem:s2], [sflag:$0x1] =	stream.linear.gather [hbm4b:s3+s2], $0x2780, $0x38;
	[tilespmem:$0x4F80] =	vst v63  }
0xd: {  	_ =	swait.ge [sflag:s6], $0x2780  }
0xe: {  	[sflag:s6] =	ssyncset.done $0x0  }
0xf: {  	s11 =	simm.s32 $0x0;
	[sflag:s6] =	ssyncadd.s32 $0xFFFFD880  }
.LBB2_2:
0x10: {  	p0 =	sne.s32 s11, $0x9DC0  }
.Ltmp0:
0x11: {  	_ = 	snop;
	(pc) =	sbr.rel @p0 .LBB2_2-.Ltmp0, $3  }
0x12: {  	_ =	sdelay $0x1  }
0x13: {  	s12 =	sshra.s32 s11, $0x2  }
0x14: {  	s11 =	sadd.s32 $0x40, s11;
	[tilespmem:s12+$0x2800] =	vst v0  }
0x15: {  	s11 =	simm.s32 $0x1C0  }
.LBB2_4:
0x16: {  	s12 =	sshra.s32 s11, $0x2  }
0x17: {  	v2 =	vld [tilespmem:s12+$0xFFFFFF90];
	_ =	sdelay $0x7  }
0x18: {  	[tilespmem:v2+s7+$0x0] =	vst.idx.add.f32.msk $0xffff, v1  }
0x19: {  	v2 =	vld [tilespmem:s12+$0xFFFFFFA0];
	_ =	sdelay $0x7  }
0x1a: {  	[tilespmem:v2+s7+$0x0] =	vst.idx.add.f32.msk $0xffff, v1  }
0x1b: {  	v2 =	vld [tilespmem:s12+$0xFFFFFFB0];
	_ =	sdelay $0x7  }
0x1c: {  	[tilespmem:v2+s7+$0x0] =	vst.idx.add.f32.msk $0xffff, v1  }
0x1d: {  	v2 =	vld [tilespmem:s12+$0xFFFFFFC0];
	_ =	sdelay $0x7  }
0x1e: {  	[tilespmem:v2+s7+$0x0] =	vst.idx.add.f32.msk $0xffff, v1  }
0x1f: {  	v2 =	vld [tilespmem:s12+$0xFFFFFFD0];
	_ =	sdelay $0x7  }
0x20: {  	[tilespmem:v2+s7+$0x0] =	vst.idx.add.f32.msk $0xffff, v1  }
0x21: {  	v2 =	vld [tilespmem:s12+$0xFFFFFFE0];
	_ =	sdelay $0x7  }
0x22: {  	[tilespmem:v2+s7+$0x0] =	vst.idx.add.f32.msk $0xffff, v1  }
0x23: {  	v2 =	vld [tilespmem:s12+$0xFFFFFFF0];
	_ =	sdelay $0x7  }
0x24: {  	[tilespmem:v2+s7+$0x0] =	vst.idx.add.f32.msk $0xffff, v1  }
0x25: {  	v2 =	vld [tilespmem:s12+$0x0];
	_ =	sdelay $0x2  }
0x26: {  	p0 =	sne.s32 s11, $0x9DC0  }
.Ltmp1:
0x27: {  	_ = 	snop;
	(pc) =	sbr.rel @p0 .LBB2_4-.Ltmp1, $2  }
0x28: {  	_ =	sdelay $0x2  }
0x29: {  	s11 =	sadd.s32 $0x200, s11;
	[tilespmem:v2+s7+$0x0] =	vst.idx.add.f32.msk $0xffff, v1  }
0x2a: {  	s10 =	sadd.s32 $0x1, s10  }
0x2b: {  	p0 =	sne.s32 s10, s5  }
.Ltmp2:
0x2c: {  	_ = 	snop;
	(pc) =	sbr.rel @p0 .LBB2_1-.Ltmp2, $4  }
0x2d: {  	[hbm4b:s4+s8] =	stream.strided.scatter [tilespmem:s7], [sflag:$0x1], $0x2780, s9, s8, $0x38;
	[tilespmem:$0x4F80] =	vst v63  }
0x2e: {  	_ =	swait.ge [sflag:s6], $0x2780  }
0x2f: {  	[sflag:s6] =	ssyncset.done $0x0  }
0x30: {  	[sflag:s6] =	ssyncadd.s32 $0xFFFFD880  }
0x31: {  	_ =	sfence.sel $0x180000  }
0x32: {  	[bflag:$0x0] =	sbarrier.arrive $0xFFFF  }
0x33: {  	p0 =	sne.s32 s0, $0x0;
	_ =	strace $0x90000047  }
0x34: {  	s0 =	sadd.s32 @!p0 $0x100000, s1;
	[bflag:$0x2] =	sbarrier.arrive $0xFFFF  }
0x35: {  	[sflag:s0] =	ssyncadd.tile.s32 @!p0 $0x1;
	_ =	shalt  }
.Lfunc_end2:
_tile_overlayer_lowered:
.L_overlay_start_2:
0x36: {  	(tag) =	ssettag $0x2  }
0x37: {  	s0 =	rddreg [dreg:$0x0];
	s2 =	stileid.u32  }
0x38: {  	s1 =	rddreg [dreg:$0x1];
	p0 =	sne.s32 s2, $0x0  }
0x39: {  	s3 =	rddreg [dreg:$0x2];
	[bflag:$0x3] =	sbarrier.arrive $0xFFFF;
	s2 =	simm.s32 @!p0 $0x1C01  }
0x3a: {  	[timem:s3], [sflag:s2] =	dma.local @!p0 [hbm:s0], s1  }
0x3b: {  	s0 =	simm.s32 @!p0 $0x1  }
0x3c: {  	_ =	swait.ge @!p0 [sflag:s0], s1  }
0x3d: {  	s1 =	ssub.s32 @!p0 $0x0, s1;
	[sflag:s0] =	ssyncset.done @!p0 $0x0  }
0x3e: {  	[sflag:s0] =	ssyncadd.s32 @!p0 s1  }
0x3f: {  	[bflag:$0x3] =	sbarrier.arrive $0xFFFF  }
0x40: {  	_ =	shalt  }

// kernel: kernel.14.cloned.1.call-start
scs
__scs_entry_jumppad:
0x0: {  	(pc) =	sbr.rel $0x88, $3  }
0x1: {  	(tag) =	ssettag $0x0;
	lr =	simm.s32 $0x1  }
0x2: {  	[smem:$0x3F91] =	sst lr;
	_ =	strace $0xD0000000  }
0x3: {  	_ = 	snop  }
0x4: {  	_ = 	snop  }
0x5: {  	_ = 	snop  }
0x6: {  	_ = 	snop  }
0x7: {  	_ = 	snop  }
__scs_overlays_trampoline_lowered:
0x8: {  	[smem:$0x3FA0] =	sst s0  }
0x9: {  	[smem:$0x3FA1] =	sst s1  }
0xa: {  	[smem:$0x3FA2] =	sst s2  }
0xb: {  	[smem:$0x3FA3] =	sst s3  }
0xc: {  	[smem:$0x3FA4] =	sst s4  }
0xd: {  	[smem:$0x3FA5] =	sst s5  }
0xe: {  	[smem:$0x3FA6] =	sst s6  }
0xf: {  	[smem:$0x3FA7] =	sst s7  }
0x10: {  	[smem:$0x3FA8] =	sst s8  }
0x11: {  	[smem:$0x3FA9] =	sst s9;
	s0 =	simm.s32 @!p0 $0x0  }
0x12: {  	s1 =	sld [smem:$0x3F8F];
	s0 =	simm.s32 @p0 $0x1  }
0x13: {  	[smem:$0x3FAA] =	sst s0;
	s0 =	simm.s32 @!p1 $0x0  }
0x14: {  	s2 =	sld [smem:$0x3F8E];
	s0 =	simm.s32 @p1 $0x1  }
0x15: {  	[smem:$0x3FAB] =	sst s0;
	s0 =	simm.s32 @!p2 $0x0  }
0x16: {  	s3 =	sld [smem:$0x3FDB];
	s0 =	simm.s32 @p2 $0x1  }
0x17: {  	s4 =	simm.s32 $0x1BF5;
	[smem:$0x3FAD] =	sst s0  }
0x18: {  	s0 =	sld [smem:$0x3F90];
	_ =	swait.ge [sflag:s4], $0x0  }
0x19: {  	s7 =	sld [smem:$0x3F91]  }
0x1a: {  	s8 =	sadd.s32 $0xFFFFE003, lr  }
0x1b: {  	s9 =	sadd.s32 $0xFFFFFEF7, lr;
	s5 =	simm.s32 $0xFFFFFFFF;
	p2 =	slt.u32 s8, $0xFFFFF086  }
0x1c: {  	p1 =	slt.u32 s9, $0xF7A;
	s5 =	simm.s32 @!p2 $0x0  }
0x1d: {  	s5 =	simm.s32 @p1 $0x1;
	p0 =	seq.s32 s7, s2  }
0x1e: {  	s7 =	smul.u32 @!p0 $0xF7A, s2;
	p2 =	seq.s32 @!p0 s5, $0x0  }
0x1f: {  	s9 =	smul.u32 $0xF7A, s1;
	s8 =	simm.s32 @!p0 $0x1BF5;
	p2 =	por !p2, p0  }
0x20: {  	[sflag:s8] =	ssyncset.s32 @!p0 $0xFFFFF086;
	s6 =	sadd.s32 @!p0 s3, s7;
	s7 =	simm.s32 @!p0 $0x108  }
0x21: {  	s3 =	sadd.s32 s3, s9;
	s6 =	sadd.s32 @!p0 $0x88, s6;
	s7 =	simm.s32 @p2 $0x1082  }
0x22: {  	[simem:s7], [sflag:s8] =	dma.local @!p0 [hbm:s6], $0xF7A  }
0x23: {  	s9 =	sor.u32 $0xD0000000, s2;
	s6 =	simm.s32 $0x108;
	_ =	swait.ge @!p0 [sflag:s8], $0x0  }
0x24: {  	s3 =	sadd.s32 $0x88, s3;
	s6 =	simm.s32 @!p1 $0x1082;
	[sflag:s4] =	ssyncset.s32 $0xFFFFF086  }
0x25: {  	[simem:s6], [sflag:s4] =	dma.local [hbm:s3], $0xF7A  }
0x26: {  	[smem:$0x3F91] =	sst s1;
	(tag) =	ssettag s2;
	_ =	strace s9  }
0x27: {  	s1 =	sld [smem:$0x3FA1]  }
0x28: {  	s2 =	sld [smem:$0x3FA2]  }
0x29: {  	s4 =	sld [smem:$0x3FA4]  }
0x2a: {  	p0 =	seq.s32 s5, $0x0;
	s5 =	sld [smem:$0x3FA5]  }
0x2b: {  	s6 =	sld [smem:$0x3FA6]  }
0x2c: {  	s7 =	sld [smem:$0x3FA7]  }
0x2d: {  	s3 =	simm.s32 $0x108;
	s8 =	sld [smem:$0x3FA8]  }
0x2e: {  	s3 =	simm.s32 @!p0 $0x1082;
	s9 =	sld [smem:$0x3FA9]  }
0x2f: {  	lr =	sadd.s32 s0, s3;
	s0 =	sld [smem:$0x3FA0]  }
0x30: {  	s3 =	sld [smem:$0x3FA3]  }
0x31: {  	[smem:$0x3FAC] =	sst s10  }
0x32: {  	s10 =	sld [smem:$0x3FAA];
	_ =	sdelay $0x3  }
0x33: {  	p0 =	seq.s32 s10, $0x1;
	s10 =	sld [smem:$0x3FAC];
	_ =	sdelay $0x3  }
0x34: {  	[smem:$0x3FAC] =	sst s10  }
0x35: {  	s10 =	sld [smem:$0x3FAB];
	_ =	sdelay $0x3  }
0x36: {  	p1 =	seq.s32 s10, $0x1;
	s10 =	sld [smem:$0x3FAC];
	_ =	sdelay $0x3  }
0x37: {  	[smem:$0x3FAC] =	sst s10  }
0x38: {  	s10 =	sld [smem:$0x3FAD]  }
0x39: {  	_ = 	snop;
	(pc) =	sbr.ind lr, $3  }
0x3a: {  	_ = 	snop  }
0x3b: {  	_ = 	snop  }
0x3c: {  	p2 =	seq.s32 s10, $0x1;
	s10 =	sld [smem:$0x3FAC]  }
0x3d: {  	_ =	shalt  }
0x3e: {  	_ =	shalt  }
0x3f: {  	_ =	shalt  }
0x40: {  	_ =	shalt  }
0x41: {  	_ =	shalt  }
0x42: {  	_ =	shalt  }
0x43: {  	_ =	shalt  }
0x44: {  	_ =	shalt  }
0x45: {  	_ =	shalt  }
0x46: {  	_ =	shalt  }
0x47: {  	_ =	shalt  }
0x48: {  	_ =	shalt  }
0x49: {  	_ =	shalt  }
0x4a: {  	_ =	shalt  }
0x4b: {  	_ =	shalt  }
0x4c: {  	_ =	shalt  }
0x4d: {  	_ =	shalt  }
0x4e: {  	_ =	shalt  }
0x4f: {  	_ =	shalt  }
0x50: {  	_ =	shalt  }
0x51: {  	_ =	shalt  }
0x52: {  	_ =	shalt  }
0x53: {  	_ =	shalt  }
0x54: {  	_ =	shalt  }
0x55: {  	_ =	shalt  }
0x56: {  	_ =	shalt  }
0x57: {  	_ =	shalt  }
0x58: {  	_ =	shalt  }
0x59: {  	_ =	shalt  }
0x5a: {  	_ =	shalt  }
0x5b: {  	_ =	shalt  }
0x5c: {  	_ =	shalt  }
0x5d: {  	_ =	shalt  }
0x5e: {  	_ =	shalt  }
0x5f: {  	_ =	shalt  }
0x60: {  	_ =	shalt  }
0x61: {  	_ =	shalt  }
0x62: {  	_ =	shalt  }
0x63: {  	_ =	shalt  }
0x64: {  	_ =	shalt  }
0x65: {  	_ =	shalt  }
0x66: {  	_ =	shalt  }
0x67: {  	_ =	shalt  }
0x68: {  	_ =	shalt  }
0x69: {  	_ =	shalt  }
0x6a: {  	_ =	shalt  }
0x6b: {  	_ =	shalt  }
0x6c: {  	_ =	shalt  }
0x6d: {  	_ =	shalt  }
0x6e: {  	_ =	shalt  }
0x6f: {  	_ =	shalt  }
0x70: {  	_ =	shalt  }
0x71: {  	_ =	shalt  }
0x72: {  	_ =	shalt  }
0x73: {  	_ =	shalt  }
0x74: {  	_ =	shalt  }
0x75: {  	_ =	shalt  }
0x76: {  	_ =	shalt  }
0x77: {  	_ =	shalt  }
0x78: {  	_ =	shalt  }
0x79: {  	_ =	shalt  }
0x7a: {  	_ =	shalt  }
0x7b: {  	_ =	shalt  }
0x7c: {  	_ =	shalt  }
0x7d: {  	_ =	shalt  }
0x7e: {  	_ =	shalt  }
0x7f: {  	_ =	shalt  }
0x80: {  	_ =	shalt  }
0x81: {  	_ =	shalt  }
0x82: {  	_ =	shalt  }
0x83: {  	_ =	shalt  }
0x84: {  	_ =	shalt  }
0x85: {  	_ =	shalt  }
0x86: {  	_ =	shalt  }
0x87: {  	_ =	shalt  }
.Lfunc_end0:
.L_simem_size_0:
called_computation.1_lowered:
.L_overlay_start_0:
0x88: {  	s2 =	sld [smem:$0x3FD9]  }
0x89: {  	s3 =	sld [smem:$0x3FFE];
	_ =	sdelay $0x1  }
0x8a: {  	s1 =	srdreg.scid  }
0x8b: {  	s0 =	sand.u32 $0x1, s1  }
0x8c: {  	s16 =	sshll.u32 s0, $0xA;
	s2 =	sadd.s32 s3, s2  }
0x8d: {  	s2 =	sadd.s32 s2, s16  }
0x8e: {  	[smem:$0x3FB8] =	sst s2  }
0x8f: {  	_ = 	snop  }
0x90: {  	(tm) =	ssettm $0x1  }
0x91: {  	s17 =	sld [smem:$0x3FFB];
	_ =	sdelay $0x3  }
0x92: {  	_ =	strace s17  }
0x93: {  	s2 =	sld [smem:$0x3FFC];
	_ =	sdelay $0x3  }
0x94: {  	_ =	strace s2  }
0x95: {  	s2 =	sld [smem:$0x3FFD];
	_ =	sdelay $0x3  }
0x96: {  	_ =	strace s2  }
0x97: {  	_ =	strace $0x8FFFFFFF  }
0x98: {  	s18 =	sld [smem:$0x3FDB];
	_ =	sdelay $0x1  }
0x99: {  	s19 =	simm.s32 $_scs_section_size  }
0x9a: {  	s4 =	simm.s32 $_size__tile_overlayer_lowered;
	s5 =	simm.s32 $_tile_overlayer_lowered  }
0x9b: {  	s22 =	simm.s32 $0x1BFF;
	s21 =	sshll.u32 s5, $0x1;
	s2 =	sadd.s32 s19, s18  }
0x9c: {  	s6 =	simm.s32 $0x0;
	s20 =	sshll.u32 s4, $0x1;
	s4 =	sadd.s32 s21, s2  }
0x9d: {  	[timem:s6], [sflag:s22] =	dma.local [hbm:s4], s20  }
0x9e: {  	_ =	swait.ge [sflag:s22], s20  }
0x9f: {  	s3 =	ssub.s32 $0x0, s20;
	[sflag:s22] =	ssyncset.done $0x0  }
0xa0: {  	[sflag:s22] =	ssyncadd.s32 s3;
	_ =	sdelay $0x1  }
0xa1: {  	s23 =	simm.s32 $0x1B8B  }
0xa2: {  	_ =	swait.ge [sflag:s23], $0x1  }
0xa3: {  	[sflag:s23] =	ssyncset.done $0x0  }
0xa4: {  	s25 =	simm.s32 $0x1B8E;
	s24 =	sld [smem:$0x3FFE];
	[sflag:s23] =	ssyncadd.s32 $0xFFFFFFFF  }
0xa5: {  	s26 =	simm.s32 $execute0_lowered;
	[smem:$0x3FD2] =	sst s25  }
0xa6: {  	s4 =	sshll.u32 s26, $0x1;
	_ =	strace $0x80000049;
	[dreg:$0x1] =	wrdreg $0xFFFFFFFF  }
0xa7: {  	s28 =	simm.s32 $_size_execute0_lowered;
	s2 =	sadd.s32 s2, s4;
	[dreg:$0x0] =	wrdreg $0x0  }
0xa8: {  	s4 =	sshll.u32 s28, $0x1;
	[dreg:$0x2] =	wrdreg s2  }
0xa9: {  	[dreg:$0x3] =	wrdreg s4  }
0xaa: {  	[dreg:$0x4] =	wrdreg $0xC0  }
0xab: {  	_ =	task [dreg:s6], $0x5FFFF  }
0xac: {  	[dreg:$0x1] =	wrdreg $0xFFFFFFFF  }
0xad: {  	[dreg:$0x0] =	wrdreg $0x60  }
0xae: {  	[dreg:$0x2] =	wrdreg s24  }
0xaf: {  	[dreg:$0x3] =	wrdreg $0x90000  }
0xb0: {  	[dreg:$0x4] =	wrdreg $0x9  }
0xb1: {  	_ =	task.clear_ibuf [dreg:s6], $0x5FFFF;
	_ =	strace $0x90000049  }
0xb2: {  	s29 =	simm.s32 $0x9;
	_ =	strace $0x8000004B  }
0xb3: {  	_ =	swait.ge [sflag:s29], $0x1  }
0xb4: {  	[sflag:s29] =	ssyncadd.s32 $0xFFFFFFFF  }
0xb5: {  	_ =	strace $0x9000004B  }
0xb6: {  	_ =	sfence  }
0xb7: {  	s30 =	sld [smem:$0x0];
	_ =	sdelay $0x2  }
0xb8: {  	s31 =	sshll.u32 s1, $0xD;
	s1 =	sshrl.u32 s1, $0x2  }
0xb9: {  	s3 =	sand.u32 $0x4000, s31;
	s1 =	sadd.s32 s1, s30  }
0xba: {  	s0 =	sor.u32 s3, s0;
	s1 =	sshll.u32 s1, $0x11  }
0xbb: {  	s0 =	sor.u32 s1, s0  }
0xbc: {  	s0 =	sadd.s32 $0x8F2B, s0  }
0xbd: {  	[sflag:s0] =	ssyncadd.remote.s32 $0x1  }
0xbe: {  	_ =	sfence.sel $0xFFFF  }
0xbf: {  	[dreg:$0x0] =	wrdreg $0xFFFFFFFF;
	(pc) =	sbr.abs _section_cstart, $3  }
0xc0: {  	[dreg:$0x1] =	wrdreg $0xFFFFFFFF  }
0xc1: {  	_ =	task.clear_ibuf [dreg:s6], $0x2FFFF;
	_ =	strace $0x9FFFFFFF  }
0xc2: {  	(tm) =	ssettm $0x7FFFFFFF  }
0xc3: {  	_ =	shalt  }
tec
execute0_lowered:
.L_overlay_start_1:
0x0: {  	(tag) =	ssettag $0x1  }
0x1: {  	s0 =	srdreg.scid;
	s6 =	rddreg [dreg:$0x0]  }
0x2: {  	s2 =	rddreg [dreg:$0x1];
	s1 =	stileid.u32;
	s3 =	simm.s32 $0x0  }
0x3: {  	s13 =	simm.s32 $0x80;
	s14 =	simm.s32 $0x5000;
	s15 =	simm.s32 $0x1  }
0x4: {  	s5 =	sand.u32 $0x1, s0;
	s0 =	rddreg [dreg:$0x2];
	s10 =	smul.u32 $0x4F000, s1  }
0x5: {  	[smem:$0x7FF] =	sst s3;
	s31 =	sshll.u32 s1, $0x6;
	s17 =	smul.u32 $0x2780, s1  }
0x6: {  	s4 =	sshll.u32 s5, $0x4;
	_ =	strace $0x8000004A;
	s8 =	smul.u32 $0x27800, s5  }
0x7: {  	s28 =	ssub.s32 $0x2, s5;
	s5 =	sadd.s32 $0xF800, s6;
	s4 =	sor.u32 s1, s4  }
0x8: {  	s29 =	sshrl.u32 s28, $0x1;
	s30 =	sshrl.u32 s10, $0x2;
	s7 =	smul.u32 $0x500, s4  }
0x9: {  	s4 =	sadd.s32 $0x23600, s6;
	s11 =	sadd.s32 s8, s6;
	s10 =	sadd.s32 s30, s2  }
0xa: {  	s12 =	ssub.s32 s28, s29;
	s16 =	sadd.s32 $0x4A800, s11;
	s10 =	sshrl.u32 s10, $0x3  }
0xb: {  	s11 =	simm.s32 $0x2;
	s9 =	sadd.s32 s7, s6;
	s6 =	sor.u32 $0x1C02, s31  }
0xc: {  	s16 =	sadd.s32 s17, s16;
	s17 =	simm.s32 $0x0;
	s7 =	sadd.s32 $0x19600, s9  }
0xd: {  	s8 =	sadd.s32 $0x5800, s9;
	s9 =	smax.u32 s12, $0x1;
	s12 =	simm.s32 $0x2800  }
.LBB2_1:
0xe: {  	[spmem:s10], [sflag:s6] =	dma.local [hbm:s5], $0x2780  }
0xf: {  	_ =	swait.ge [sflag:s11], $0x2780  }
0x10: {  	[sflag:s11] =	ssyncset.done $0x0  }
0x11: {  	[sflag:s11] =	ssyncadd.s32 $0xFFFFD880  }
0x12: {  	[tilespmem:s3], [sflag:$0x2] =	stream.linear.gather [hbm4b:s7+s3], $0x2780, $0x38;
	[tilespmem:$0x1CC00] =	vst v63  }
0x13: {  	_ =	swait.ge [sflag:s11], $0x2780  }
0x14: {  	[sflag:s11] =	ssyncset.done $0x0  }
0x15: {  	[sflag:s11] =	ssyncadd.s32 $0xFFFFD880  }
0x16: {  	[tilespmem:s12], [sflag:$0x2] =	stream.linear.gather [hbm4b:s8+s3], $0x2780, $0x38;
	[tilespmem:$0x1CC00] =	vst v63  }
0x17: {  	_ =	swait.ge [sflag:s11], $0x2780  }
0x18: {  	[sflag:s11] =	ssyncset.done $0x0  }
0x19: {  	[sflag:s11] =	ssyncadd.s32 $0xFFFFD880  }
0x1a: {  	s18 =	simm.s32 $0x0;
	[bflag:$0x0] =	sbarrier.arrive $0xFFFF  }
0x1b: {  	[tilespmem:s14], [sflag:$0x1] =	stream.indirect.gather [hbm4b:s4+s13], $0x80, s18, s13, $0xb8;
	[tilespmem:$0x1CC00] =	vst v63  }
0x1c: {  	_ =	swait.ge [sflag:s15], $0x4000  }
0x1d: {  	[sflag:s15] =	ssyncset.done $0x0  }
0x1e: {  	s31 =	simm.s32 $0x2800;
	[sflag:s15] =	ssyncadd.s32 $0xFFFFC000  }
0x1f: {  	[spmem:s2] =	stream.indirect.scatter.add.f32 [tilespmem:s14], [sflag:$0x2], $0x80, s31, s13, $0xb8;
	[tilespmem:$0x1CC00] =	vst v63  }
0x20: {  	_ =	swait.ge [sflag:s11], $0x4000  }
0x21: {  	s19 =	simm.s32 $0x400;
	s18 =	simm.s32 $0x200;
	[sflag:s11] =	ssyncset.done $0x0  }
.LBB2_2:
0x22: {  	s20 =	sshra.s32 s18, $0x2  }
0x23: {  	[sflag:s11] =	ssyncadd.s32 $0xFFFFC000;
	s18 =	smov.u32 s19;
	s21 =	sadd.s32 $0x200, s19  }
0x24: {  	[tilespmem:s14], [sflag:$0x1] =	stream.indirect.gather [hbm4b:s4+s13], $0x80, s20, s13, $0xb8;
	[tilespmem:$0x1CC00] =	vst v63  }
0x25: {  	p0 =	sne.s32 s19, $0x9C00;
	_ =	swait.ge [sflag:s15], $0x4000  }
.Ltmp0:
0x26: {  	[sflag:s15] =	ssyncset.done $0x0;
	(pc) =	sbr.rel @p0 .LBB2_2-.Ltmp0, $4  }
0x27: {  	s19 =	sadd.s32 $0x2800, s20;
	[sflag:s15] =	ssyncadd.s32 $0xFFFFC000  }
0x28: {  	[spmem:s2] =	stream.indirect.scatter.add.f32 [tilespmem:s14], [sflag:$0x2], $0x80, s19, s13, $0xb8;
	[tilespmem:$0x1CC00] =	vst v63  }
0x29: {  	_ =	swait.ge [sflag:s11], $0x4000  }
0x2a: {  	s19 =	smov.u32 s21;
	[sflag:s11] =	ssyncset.done $0x0  }
0x2b: {  	s18 =	sshra.s32 s18, $0x2;
	[sflag:s11] =	ssyncadd.s32 $0xFFFFC000  }
0x2c: {  	[tilespmem:s14], [sflag:$0x1] =	stream.indirect.gather [hbm4b:s4+s13], $0x80, s18, s13, $0xb8;
	[tilespmem:$0x1CC00] =	vst v63  }
0x2d: {  	_ =	swait.ge [sflag:s15], $0x4000  }
0x2e: {  	[sflag:s15] =	ssyncset.done $0x0  }
0x2f: {  	s18 =	sadd.s32 $0x2800, s18;
	[sflag:s15] =	ssyncadd.s32 $0xFFFFC000  }
0x30: {  	[spmem:s2] =	stream.indirect.scatter.add.f32 [tilespmem:s14], [sflag:$0x2], $0x80, s18, s13, $0xb8;
	[tilespmem:$0x1CC00] =	vst v63  }
0x31: {  	_ =	swait.ge [sflag:s11], $0x4000  }
0x32: {  	s17 =	sadd.s32 $0x1, s17;
	[sflag:s11] =	ssyncset.done $0x0  }
0x33: {  	p0 =	sne.s32 s17, s9;
	[sflag:s11] =	ssyncadd.s32 $0xFFFFC000  }
.Ltmp1:
0x34: {  	[bflag:$0x0] =	sbarrier.arrive $0xFFFF;
	(pc) =	sbr.rel @p0 .LBB2_1-.Ltmp1, $4  }
0x35: {  	[hbm:s16], [sflag:s6] =	dma.local [spmem:s10], $0x2780  }
0x36: {  	_ =	swait.ge [sflag:s11], $0x2780  }
0x37: {  	[sflag:s11] =	ssyncset.done $0x0  }
0x38: {  	[sflag:s11] =	ssyncadd.s32 $0xFFFFD880  }
0x39: {  	_ =	sfence.sel $0x180000  }
0x3a: {  	[bflag:$0x0] =	sbarrier.arrive $0xFFFF  }
0x3b: {  	p0 =	sne.s32 s1, $0x0;
	_ =	strace $0x9000004A  }
0x3c: {  	s0 =	sadd.s32 @!p0 $0x100000, s0;
	[bflag:$0x2] =	sbarrier.arrive $0xFFFF  }
0x3d: {  	[sflag:s0] =	ssyncadd.tile.s32 @!p0 $0x1;
	_ =	shalt  }
.Lfunc_end2:
_tile_overlayer_lowered:
.L_overlay_start_2:
0x3e: {  	(tag) =	ssettag $0x2  }
0x3f: {  	s0 =	rddreg [dreg:$0x0];
	s2 =	stileid.u32  }
0x40: {  	s1 =	rddreg [dreg:$0x1];
	p0 =	sne.s32 s2, $0x0  }
0x41: {  	s3 =	rddreg [dreg:$0x2];
	[bflag:$0x3] =	sbarrier.arrive $0xFFFF;
	s2 =	simm.s32 @!p0 $0x1C02  }
0x42: {  	[timem:s3], [sflag:s2] =	dma.local @!p0 [hbm:s0], s1  }
0x43: {  	s0 =	simm.s32 @!p0 $0x2  }
0x44: {  	_ =	swait.ge @!p0 [sflag:s0], s1  }
0x45: {  	s1 =	ssub.s32 @!p0 $0x0, s1;
	[sflag:s0] =	ssyncset.done @!p0 $0x0  }
0x46: {  	[sflag:s0] =	ssyncadd.s32 @!p0 s1  }
0x47: {  	[bflag:$0x3] =	sbarrier.arrive $0xFFFF  }
0x48: {  	_ =	shalt  }

// kernel: kernel.17.cloned.1.call-start
scs
__scs_entry_jumppad:
0x0: {  	(pc) =	sbr.rel $0x88, $3  }
0x1: {  	(tag) =	ssettag $0x0;
	lr =	simm.s32 $0x1  }
0x2: {  	[smem:$0x3F91] =	sst lr;
	_ =	strace $0xD0000000  }
0x3: {  	_ = 	snop  }
0x4: {  	_ = 	snop  }
0x5: {  	_ = 	snop  }
0x6: {  	_ = 	snop  }
0x7: {  	_ = 	snop  }
__scs_overlays_trampoline_lowered:
0x8: {  	[smem:$0x3FA0] =	sst s0  }
0x9: {  	[smem:$0x3FA1] =	sst s1  }
0xa: {  	[smem:$0x3FA2] =	sst s2  }
0xb: {  	[smem:$0x3FA3] =	sst s3  }
0xc: {  	[smem:$0x3FA4] =	sst s4  }
0xd: {  	[smem:$0x3FA5] =	sst s5  }
0xe: {  	[smem:$0x3FA6] =	sst s6  }
0xf: {  	[smem:$0x3FA7] =	sst s7  }
0x10: {  	[smem:$0x3FA8] =	sst s8  }
0x11: {  	[smem:$0x3FA9] =	sst s9;
	s0 =	simm.s32 @!p0 $0x0  }
0x12: {  	s1 =	sld [smem:$0x3F8F];
	s0 =	simm.s32 @p0 $0x1  }
0x13: {  	[smem:$0x3FAA] =	sst s0;
	s0 =	simm.s32 @!p1 $0x0  }
0x14: {  	s2 =	sld [smem:$0x3F8E];
	s0 =	simm.s32 @p1 $0x1  }
0x15: {  	[smem:$0x3FAB] =	sst s0;
	s0 =	simm.s32 @!p2 $0x0  }
0x16: {  	s3 =	sld [smem:$0x3FDB];
	s0 =	simm.s32 @p2 $0x1  }
0x17: {  	s4 =	simm.s32 $0x1BF5;
	[smem:$0x3FAD] =	sst s0  }
0x18: {  	s0 =	sld [smem:$0x3F90];
	_ =	swait.ge [sflag:s4], $0x0  }
0x19: {  	s7 =	sld [smem:$0x3F91]  }
0x1a: {  	s8 =	sadd.s32 $0xFFFFE003, lr  }
0x1b: {  	s9 =	sadd.s32 $0xFFFFFEF7, lr;
	s5 =	simm.s32 $0xFFFFFFFF;
	p2 =	slt.u32 s8, $0xFFFFF086  }
0x1c: {  	p1 =	slt.u32 s9, $0xF7A;
	s5 =	simm.s32 @!p2 $0x0  }
0x1d: {  	s5 =	simm.s32 @p1 $0x1;
	p0 =	seq.s32 s7, s2  }
0x1e: {  	s7 =	smul.u32 @!p0 $0xF7A, s2;
	p2 =	seq.s32 @!p0 s5, $0x0  }
0x1f: {  	s9 =	smul.u32 $0xF7A, s1;
	s8 =	simm.s32 @!p0 $0x1BF5;
	p2 =	por !p2, p0  }
0x20: {  	[sflag:s8] =	ssyncset.s32 @!p0 $0xFFFFF086;
	s6 =	sadd.s32 @!p0 s3, s7;
	s7 =	simm.s32 @!p0 $0x108  }
0x21: {  	s3 =	sadd.s32 s3, s9;
	s6 =	sadd.s32 @!p0 $0x88, s6;
	s7 =	simm.s32 @p2 $0x1082  }
0x22: {  	[simem:s7], [sflag:s8] =	dma.local @!p0 [hbm:s6], $0xF7A  }
0x23: {  	s9 =	sor.u32 $0xD0000000, s2;
	s6 =	simm.s32 $0x108;
	_ =	swait.ge @!p0 [sflag:s8], $0x0  }
0x24: {  	s3 =	sadd.s32 $0x88, s3;
	s6 =	simm.s32 @!p1 $0x1082;
	[sflag:s4] =	ssyncset.s32 $0xFFFFF086  }
0x25: {  	[simem:s6], [sflag:s4] =	dma.local [hbm:s3], $0xF7A  }
0x26: {  	[smem:$0x3F91] =	sst s1;
	(tag) =	ssettag s2;
	_ =	strace s9  }
0x27: {  	s1 =	sld [smem:$0x3FA1]  }
0x28: {  	s2 =	sld [smem:$0x3FA2]  }
0x29: {  	s4 =	sld [smem:$0x3FA4]  }
0x2a: {  	p0 =	seq.s32 s5, $0x0;
	s5 =	sld [smem:$0x3FA5]  }
0x2b: {  	s6 =	sld [smem:$0x3FA6]  }
0x2c: {  	s7 =	sld [smem:$0x3FA7]  }
0x2d: {  	s3 =	simm.s32 $0x108;
	s8 =	sld [smem:$0x3FA8]  }
0x2e: {  	s3 =	simm.s32 @!p0 $0x1082;
	s9 =	sld [smem:$0x3FA9]  }
0x2f: {  	lr =	sadd.s32 s0, s3;
	s0 =	sld [smem:$0x3FA0]  }
0x30: {  	s3 =	sld [smem:$0x3FA3]  }
0x31: {  	[smem:$0x3FAC] =	sst s10  }
0x32: {  	s10 =	sld [smem:$0x3FAA];
	_ =	sdelay $0x3  }
0x33: {  	p0 =	seq.s32 s10, $0x1;
	s10 =	sld [smem:$0x3FAC];
	_ =	sdelay $0x3  }
0x34: {  	[smem:$0x3FAC] =	sst s10  }
0x35: {  	s10 =	sld [smem:$0x3FAB];
	_ =	sdelay $0x3  }
0x36: {  	p1 =	seq.s32 s10, $0x1;
	s10 =	sld [smem:$0x3FAC];
	_ =	sdelay $0x3  }
0x37: {  	[smem:$0x3FAC] =	sst s10  }
0x38: {  	s10 =	sld [smem:$0x3FAD]  }
0x39: {  	_ = 	snop;
	(pc) =	sbr.ind lr, $3  }
0x3a: {  	_ = 	snop  }
0x3b: {  	_ = 	snop  }
0x3c: {  	p2 =	seq.s32 s10, $0x1;
	s10 =	sld [smem:$0x3FAC]  }
0x3d: {  	_ =	shalt  }
0x3e: {  	_ =	shalt  }
0x3f: {  	_ =	shalt  }
0x40: {  	_ =	shalt  }
0x41: {  	_ =	shalt  }
0x42: {  	_ =	shalt  }
0x43: {  	_ =	shalt  }
0x44: {  	_ =	shalt  }
0x45: {  	_ =	shalt  }
0x46: {  	_ =	shalt  }
0x47: {  	_ =	shalt  }
0x48: {  	_ =	shalt  }
0x49: {  	_ =	shalt  }
0x4a: {  	_ =	shalt  }
0x4b: {  	_ =	shalt  }
0x4c: {  	_ =	shalt  }
0x4d: {  	_ =	shalt  }
0x4e: {  	_ =	shalt  }
0x4f: {  	_ =	shalt  }
0x50: {  	_ =	shalt  }
0x51: {  	_ =	shalt  }
0x52: {  	_ =	shalt  }
0x53: {  	_ =	shalt  }
0x54: {  	_ =	shalt  }
0x55: {  	_ =	shalt  }
0x56: {  	_ =	shalt  }
0x57: {  	_ =	shalt  }
0x58: {  	_ =	shalt  }
0x59: {  	_ =	shalt  }
0x5a: {  	_ =	shalt  }
0x5b: {  	_ =	shalt  }
0x5c: {  	_ =	shalt  }
0x5d: {  	_ =	shalt  }
0x5e: {  	_ =	shalt  }
0x5f: {  	_ =	shalt  }
0x60: {  	_ =	shalt  }
0x61: {  	_ =	shalt  }
0x62: {  	_ =	shalt  }
0x63: {  	_ =	shalt  }
0x64: {  	_ =	shalt  }
0x65: {  	_ =	shalt  }
0x66: {  	_ =	shalt  }
0x67: {  	_ =	shalt  }
0x68: {  	_ =	shalt  }
0x69: {  	_ =	shalt  }
0x6a: {  	_ =	shalt  }
0x6b: {  	_ =	shalt  }
0x6c: {  	_ =	shalt  }
0x6d: {  	_ =	shalt  }
0x6e: {  	_ =	shalt  }
0x6f: {  	_ =	shalt  }
0x70: {  	_ =	shalt  }
0x71: {  	_ =	shalt  }
0x72: {  	_ =	shalt  }
0x73: {  	_ =	shalt  }
0x74: {  	_ =	shalt  }
0x75: {  	_ =	shalt  }
0x76: {  	_ =	shalt  }
0x77: {  	_ =	shalt  }
0x78: {  	_ =	shalt  }
0x79: {  	_ =	shalt  }
0x7a: {  	_ =	shalt  }
0x7b: {  	_ =	shalt  }
0x7c: {  	_ =	shalt  }
0x7d: {  	_ =	shalt  }
0x7e: {  	_ =	shalt  }
0x7f: {  	_ =	shalt  }
0x80: {  	_ =	shalt  }
0x81: {  	_ =	shalt  }
0x82: {  	_ =	shalt  }
0x83: {  	_ =	shalt  }
0x84: {  	_ =	shalt  }
0x85: {  	_ =	shalt  }
0x86: {  	_ =	shalt  }
0x87: {  	_ =	shalt  }
.Lfunc_end0:
.L_simem_size_0:
called_computation.2_lowered:
.L_overlay_start_0:
0x88: {  	s2 =	sld [smem:$0x3FD9]  }
0x89: {  	s3 =	sld [smem:$0x3FFE];
	_ =	sdelay $0x1  }
0x8a: {  	s1 =	srdreg.scid  }
0x8b: {  	s0 =	sand.u32 $0x1, s1  }
0x8c: {  	s16 =	sshll.u32 s0, $0xA;
	s2 =	sadd.s32 s3, s2  }
0x8d: {  	s2 =	sadd.s32 s2, s16  }
0x8e: {  	[smem:$0x3FB8] =	sst s2  }
0x8f: {  	_ = 	snop  }
0x90: {  	(tm) =	ssettm $0x1  }
0x91: {  	s17 =	sld [smem:$0x3FFB];
	_ =	sdelay $0x3  }
0x92: {  	_ =	strace s17  }
0x93: {  	s2 =	sld [smem:$0x3FFC];
	_ =	sdelay $0x3  }
0x94: {  	_ =	strace s2  }
0x95: {  	s2 =	sld [smem:$0x3FFD];
	_ =	sdelay $0x3  }
0x96: {  	_ =	strace s2  }
0x97: {  	_ =	strace $0x8FFFFFFF  }
0x98: {  	s18 =	sld [smem:$0x3FDB];
	_ =	sdelay $0x1  }
0x99: {  	s19 =	simm.s32 $_scs_section_size  }
0x9a: {  	s4 =	simm.s32 $_size__tile_overlayer_lowered;
	s5 =	simm.s32 $_tile_overlayer_lowered  }
0x9b: {  	s22 =	simm.s32 $0x1BFF;
	s21 =	sshll.u32 s5, $0x1;
	s2 =	sadd.s32 s19, s18  }
0x9c: {  	s6 =	simm.s32 $0x0;
	s20 =	sshll.u32 s4, $0x1;
	s4 =	sadd.s32 s21, s2  }
0x9d: {  	[timem:s6], [sflag:s22] =	dma.local [hbm:s4], s20  }
0x9e: {  	_ =	swait.ge [sflag:s22], s20  }
0x9f: {  	s3 =	ssub.s32 $0x0, s20;
	[sflag:s22] =	ssyncset.done $0x0  }
0xa0: {  	[sflag:s22] =	ssyncadd.s32 s3;
	_ =	sdelay $0x1  }
0xa1: {  	s23 =	simm.s32 $0x1B8B  }
0xa2: {  	_ =	swait.ge [sflag:s23], $0x1  }
0xa3: {  	[sflag:s23] =	ssyncset.done $0x0  }
0xa4: {  	s25 =	simm.s32 $0x1B8E;
	s24 =	sld [smem:$0x3FFE];
	[sflag:s23] =	ssyncadd.s32 $0xFFFFFFFF  }
0xa5: {  	s26 =	simm.s32 $execute0_lowered;
	[smem:$0x3FD2] =	sst s25  }
0xa6: {  	s4 =	sshll.u32 s26, $0x1;
	_ =	strace $0x8000004C;
	[dreg:$0x1] =	wrdreg $0xFFFFFFFF  }
0xa7: {  	s28 =	simm.s32 $_size_execute0_lowered;
	s2 =	sadd.s32 s2, s4;
	[dreg:$0x0] =	wrdreg $0x0  }
0xa8: {  	s4 =	sshll.u32 s28, $0x1;
	[dreg:$0x2] =	wrdreg s2  }
0xa9: {  	[dreg:$0x3] =	wrdreg s4  }
0xaa: {  	[dreg:$0x4] =	wrdreg $0xC0  }
0xab: {  	_ =	task [dreg:s6], $0x5FFFF  }
0xac: {  	[dreg:$0x1] =	wrdreg $0xFFFFFFFF  }
0xad: {  	[dreg:$0x0] =	wrdreg $0x60  }
0xae: {  	[dreg:$0x2] =	wrdreg s24  }
0xaf: {  	[dreg:$0x3] =	wrdreg $0x90000  }
0xb0: {  	[dreg:$0x4] =	wrdreg $0x9  }
0xb1: {  	_ =	task.clear_ibuf [dreg:s6], $0x5FFFF;
	_ =	strace $0x9000004C  }
0xb2: {  	s29 =	simm.s32 $0x9;
	_ =	strace $0x8000004E  }
0xb3: {  	_ =	swait.ge [sflag:s29], $0x1  }
0xb4: {  	[sflag:s29] =	ssyncadd.s32 $0xFFFFFFFF  }
0xb5: {  	_ =	strace $0x9000004E  }
0xb6: {  	_ =	sfence  }
0xb7: {  	s30 =	sld [smem:$0x0];
	_ =	sdelay $0x2  }
0xb8: {  	s31 =	sshll.u32 s1, $0xD;
	s1 =	sshrl.u32 s1, $0x2  }
0xb9: {  	s3 =	sand.u32 $0x4000, s31;
	s1 =	sadd.s32 s1, s30  }
0xba: {  	s0 =	sor.u32 s3, s0;
	s1 =	sshll.u32 s1, $0x11  }
0xbb: {  	s0 =	sor.u32 s1, s0  }
0xbc: {  	s0 =	sadd.s32 $0x8F2B, s0  }
0xbd: {  	[sflag:s0] =	ssyncadd.remote.s32 $0x1  }
0xbe: {  	_ =	sfence.sel $0xFFFF  }
0xbf: {  	[dreg:$0x0] =	wrdreg $0xFFFFFFFF;
	(pc) =	sbr.abs _section_cstart, $3  }
0xc0: {  	[dreg:$0x1] =	wrdreg $0xFFFFFFFF  }
0xc1: {  	_ =	task.clear_ibuf [dreg:s6], $0x2FFFF;
	_ =	strace $0x9FFFFFFF  }
0xc2: {  	(tm) =	ssettm $0x7FFFFFFF  }
0xc3: {  	_ =	shalt  }
tec
execute0_lowered:
.L_overlay_start_1:
0x0: {  	(tag) =	ssettag $0x1  }
0x1: {  	s0 =	srdreg.scid;
	s6 =	rddreg [dreg:$0x0]  }
0x2: {  	s2 =	rddreg [dreg:$0x1];
	s1 =	stileid.u32;
	s3 =	simm.s32 $0x0  }
0x3: {  	s13 =	simm.s32 $0x80;
	s14 =	simm.s32 $0x5000;
	s15 =	simm.s32 $0x1  }
0x4: {  	s5 =	sand.u32 $0x1, s0;
	s0 =	rddreg [dreg:$0x2];
	s10 =	smul.u32 $0x4F000, s1  }
0x5: {  	[smem:$0x7FF] =	sst s3;
	s31 =	sshll.u32 s1, $0x6;
	s17 =	smul.u32 $0x2780, s1  }
0x6: {  	s4 =	sshll.u32 s5, $0x4;
	_ =	strace $0x8000004D;
	s8 =	smul.u32 $0x27800, s5  }
0x7: {  	s28 =	ssub.s32 $0x2, s5;
	s5 =	sadd.s32 $0xF800, s6;
	s4 =	sor.u32 s1, s4  }
0x8: {  	s29 =	sshrl.u32 s28, $0x1;
	s30 =	sshrl.u32 s10, $0x2;
	s7 =	smul.u32 $0x500, s4  }
0x9: {  	s4 =	sadd.s32 $0x23600, s6;
	s11 =	sadd.s32 s8, s6;
	s10 =	sadd.s32 s30, s2  }
0xa: {  	s12 =	ssub.s32 s28, s29;
	s16 =	sadd.s32 $0x4A800, s11;
	s10 =	sshrl.u32 s10, $0x3  }
0xb: {  	s11 =	simm.s32 $0x2;
	s9 =	sadd.s32 s7, s6;
	s6 =	sor.u32 $0x1C02, s31  }
0xc: {  	s16 =	sadd.s32 s17, s16;
	s17 =	simm.s32 $0x0;
	s7 =	sadd.s32 $0x19600, s9  }
0xd: {  	s8 =	sadd.s32 $0x5800, s9;
	s9 =	smax.u32 s12, $0x1;
	s12 =	simm.s32 $0x2800  }
.LBB2_1:
0xe: {  	[spmem:s10], [sflag:s6] =	dma.local [hbm:s5], $0x2780  }
0xf: {  	_ =	swait.ge [sflag:s11], $0x2780  }
0x10: {  	[sflag:s11] =	ssyncset.done $0x0  }
0x11: {  	[sflag:s11] =	ssyncadd.s32 $0xFFFFD880  }
0x12: {  	[tilespmem:s3], [sflag:$0x2] =	stream.linear.gather [hbm4b:s7+s3], $0x2780, $0x38;
	[tilespmem:$0x1CC00] =	vst v63  }
0x13: {  	_ =	swait.ge [sflag:s11], $0x2780  }
0x14: {  	[sflag:s11] =	ssyncset.done $0x0  }
0x15: {  	[sflag:s11] =	ssyncadd.s32 $0xFFFFD880  }
0x16: {  	[tilespmem:s12], [sflag:$0x2] =	stream.linear.gather [hbm4b:s8+s3], $0x2780, $0x38;
	[tilespmem:$0x1CC00] =	vst v63  }
0x17: {  	_ =	swait.ge [sflag:s11], $0x2780  }
0x18: {  	[sflag:s11] =	ssyncset.done $0x0  }
0x19: {  	[sflag:s11] =	ssyncadd.s32 $0xFFFFD880  }
0x1a: {  	s18 =	simm.s32 $0x0;
	[bflag:$0x0] =	sbarrier.arrive $0xFFFF  }
0x1b: {  	[tilespmem:s14], [sflag:$0x1] =	stream.indirect.gather [hbm4b:s4+s13], $0x80, s18, s13, $0xb8;
	[tilespmem:$0x1CC00] =	vst v63  }
0x1c: {  	_ =	swait.ge [sflag:s15], $0x4000  }
0x1d: {  	[sflag:s15] =	ssyncset.done $0x0  }
0x1e: {  	s31 =	simm.s32 $0x2800;
	[sflag:s15] =	ssyncadd.s32 $0xFFFFC000  }
0x1f: {  	[spmem:s2] =	stream.indirect.scatter.add.f32 [tilespmem:s14], [sflag:$0x2], $0x80, s31, s13, $0xb8;
	[tilespmem:$0x1CC00] =	vst v63  }
0x20: {  	_ =	swait.ge [sflag:s11], $0x4000  }
0x21: {  	s19 =	simm.s32 $0x400;
	s18 =	simm.s32 $0x200;
	[sflag:s11] =	ssyncset.done $0x0  }
.LBB2_2:
0x22: {  	s20 =	sshra.s32 s18, $0x2  }
0x23: {  	[sflag:s11] =	ssyncadd.s32 $0xFFFFC000;
	s18 =	smov.u32 s19;
	s21 =	sadd.s32 $0x200, s19  }
0x24: {  	[tilespmem:s14], [sflag:$0x1] =	stream.indirect.gather [hbm4b:s4+s13], $0x80, s20, s13, $0xb8;
	[tilespmem:$0x1CC00] =	vst v63  }
0x25: {  	p0 =	sne.s32 s19, $0x9C00;
	_ =	swait.ge [sflag:s15], $0x4000  }
.Ltmp0:
0x26: {  	[sflag:s15] =	ssyncset.done $0x0;
	(pc) =	sbr.rel @p0 .LBB2_2-.Ltmp0, $4  }
0x27: {  	s19 =	sadd.s32 $0x2800, s20;
	[sflag:s15] =	ssyncadd.s32 $0xFFFFC000  }
0x28: {  	[spmem:s2] =	stream.indirect.scatter.add.f32 [tilespmem:s14], [sflag:$0x2], $0x80, s19, s13, $0xb8;
	[tilespmem:$0x1CC00] =	vst v63  }
0x29: {  	_ =	swait.ge [sflag:s11], $0x4000  }
0x2a: {  	s19 =	smov.u32 s21;
	[sflag:s11] =	ssyncset.done $0x0  }
0x2b: {  	s18 =	sshra.s32 s18, $0x2;
	[sflag:s11] =	ssyncadd.s32 $0xFFFFC000  }
0x2c: {  	[tilespmem:s14], [sflag:$0x1] =	stream.indirect.gather [hbm4b:s4+s13], $0x80, s18, s13, $0xb8;
	[tilespmem:$0x1CC00] =	vst v63  }
0x2d: {  	_ =	swait.ge [sflag:s15], $0x4000  }
0x2e: {  	[sflag:s15] =	ssyncset.done $0x0  }
0x2f: {  	s18 =	sadd.s32 $0x2800, s18;
	[sflag:s15] =	ssyncadd.s32 $0xFFFFC000  }
0x30: {  	[spmem:s2] =	stream.indirect.scatter.add.f32 [tilespmem:s14], [sflag:$0x2], $0x80, s18, s13, $0xb8;
	[tilespmem:$0x1CC00] =	vst v63  }
0x31: {  	_ =	swait.ge [sflag:s11], $0x4000  }
0x32: {  	s17 =	sadd.s32 $0x1, s17;
	[sflag:s11] =	ssyncset.done $0x0  }
0x33: {  	p0 =	sne.s32 s17, s9;
	[sflag:s11] =	ssyncadd.s32 $0xFFFFC000  }
.Ltmp1:
0x34: {  	[bflag:$0x0] =	sbarrier.arrive $0xFFFF;
	(pc) =	sbr.rel @p0 .LBB2_1-.Ltmp1, $4  }
0x35: {  	[hbm:s16], [sflag:s6] =	dma.local [spmem:s10], $0x2780  }
0x36: {  	_ =	swait.ge [sflag:s11], $0x2780  }
0x37: {  	[sflag:s11] =	ssyncset.done $0x0  }
0x38: {  	[sflag:s11] =	ssyncadd.s32 $0xFFFFD880  }
0x39: {  	_ =	sfence.sel $0x180000  }
0x3a: {  	[bflag:$0x0] =	sbarrier.arrive $0xFFFF  }
0x3b: {  	p0 =	sne.s32 s1, $0x0;
	_ =	strace $0x9000004D  }
0x3c: {  	s0 =	sadd.s32 @!p0 $0x100000, s0;
	[bflag:$0x2] =	sbarrier.arrive $0xFFFF  }
0x3d: {  	[sflag:s0] =	ssyncadd.tile.s32 @!p0 $0x1;
	_ =	shalt  }
.Lfunc_end2:
_tile_overlayer_lowered:
.L_overlay_start_2:
0x3e: {  	(tag) =	ssettag $0x2  }
0x3f: {  	s0 =	rddreg [dreg:$0x0];
	s2 =	stileid.u32  }
0x40: {  	s1 =	rddreg [dreg:$0x1];
	p0 =	sne.s32 s2, $0x0  }
0x41: {  	s3 =	rddreg [dreg:$0x2];
	[bflag:$0x3] =	sbarrier.arrive $0xFFFF;
	s2 =	simm.s32 @!p0 $0x1C02  }
0x42: {  	[timem:s3], [sflag:s2] =	dma.local @!p0 [hbm:s0], s1  }
0x43: {  	s0 =	simm.s32 @!p0 $0x2  }
0x44: {  	_ =	swait.ge @!p0 [sflag:s0], s1  }
0x45: {  	s1 =	ssub.s32 @!p0 $0x0, s1;
	[sflag:s0] =	ssyncset.done @!p0 $0x0  }
0x46: {  	[sflag:s0] =	ssyncadd.s32 @!p0 s1  }
0x47: {  	[bflag:$0x3] =	sbarrier.arrive $0xFFFF  }
0x48: {  	_ =	shalt  }

// kernel: kernel.20.cloned.1.call-start
scs
__scs_entry_jumppad:
0x0: {  	(pc) =	sbr.rel $0x88, $3  }
0x1: {  	(tag) =	ssettag $0x0;
	lr =	simm.s32 $0x1  }
0x2: {  	[smem:$0x3F91] =	sst lr;
	_ =	strace $0xD0000000  }
0x3: {  	_ = 	snop  }
0x4: {  	_ = 	snop  }
0x5: {  	_ = 	snop  }
0x6: {  	_ = 	snop  }
0x7: {  	_ = 	snop  }
__scs_overlays_trampoline_lowered:
0x8: {  	[smem:$0x3FA0] =	sst s0  }
0x9: {  	[smem:$0x3FA1] =	sst s1  }
0xa: {  	[smem:$0x3FA2] =	sst s2  }
0xb: {  	[smem:$0x3FA3] =	sst s3  }
0xc: {  	[smem:$0x3FA4] =	sst s4  }
0xd: {  	[smem:$0x3FA5] =	sst s5  }
0xe: {  	[smem:$0x3FA6] =	sst s6  }
0xf: {  	[smem:$0x3FA7] =	sst s7  }
0x10: {  	[smem:$0x3FA8] =	sst s8  }
0x11: {  	[smem:$0x3FA9] =	sst s9;
	s0 =	simm.s32 @!p0 $0x0  }
0x12: {  	s1 =	sld [smem:$0x3F8F];
	s0 =	simm.s32 @p0 $0x1  }
0x13: {  	[smem:$0x3FAA] =	sst s0;
	s0 =	simm.s32 @!p1 $0x0  }
0x14: {  	s2 =	sld [smem:$0x3F8E];
	s0 =	simm.s32 @p1 $0x1  }
0x15: {  	[smem:$0x3FAB] =	sst s0;
	s0 =	simm.s32 @!p2 $0x0  }
0x16: {  	s3 =	sld [smem:$0x3FDB];
	s0 =	simm.s32 @p2 $0x1  }
0x17: {  	s4 =	simm.s32 $0x1BF5;
	[smem:$0x3FAD] =	sst s0  }
0x18: {  	s0 =	sld [smem:$0x3F90];
	_ =	swait.ge [sflag:s4], $0x0  }
0x19: {  	s7 =	sld [smem:$0x3F91]  }
0x1a: {  	s8 =	sadd.s32 $0xFFFFE003, lr  }
0x1b: {  	s9 =	sadd.s32 $0xFFFFFEF7, lr;
	s5 =	simm.s32 $0xFFFFFFFF;
	p2 =	slt.u32 s8, $0xFFFFF086  }
0x1c: {  	p1 =	slt.u32 s9, $0xF7A;
	s5 =	simm.s32 @!p2 $0x0  }
0x1d: {  	s5 =	simm.s32 @p1 $0x1;
	p0 =	seq.s32 s7, s2  }
0x1e: {  	s7 =	smul.u32 @!p0 $0xF7A, s2;
	p2 =	seq.s32 @!p0 s5, $0x0  }
0x1f: {  	s9 =	smul.u32 $0xF7A, s1;
	s8 =	simm.s32 @!p0 $0x1BF5;
	p2 =	por !p2, p0  }
0x20: {  	[sflag:s8] =	ssyncset.s32 @!p0 $0xFFFFF086;
	s6 =	sadd.s32 @!p0 s3, s7;
	s7 =	simm.s32 @!p0 $0x108  }
0x21: {  	s3 =	sadd.s32 s3, s9;
	s6 =	sadd.s32 @!p0 $0x88, s6;
	s7 =	simm.s32 @p2 $0x1082  }
0x22: {  	[simem:s7], [sflag:s8] =	dma.local @!p0 [hbm:s6], $0xF7A  }
0x23: {  	s9 =	sor.u32 $0xD0000000, s2;
	s6 =	simm.s32 $0x108;
	_ =	swait.ge @!p0 [sflag:s8], $0x0  }
0x24: {  	s3 =	sadd.s32 $0x88, s3;
	s6 =	simm.s32 @!p1 $0x1082;
	[sflag:s4] =	ssyncset.s32 $0xFFFFF086  }
0x25: {  	[simem:s6], [sflag:s4] =	dma.local [hbm:s3], $0xF7A  }
0x26: {  	[smem:$0x3F91] =	sst s1;
	(tag) =	ssettag s2;
	_ =	strace s9  }
0x27: {  	s1 =	sld [smem:$0x3FA1]  }
0x28: {  	s2 =	sld [smem:$0x3FA2]  }
0x29: {  	s4 =	sld [smem:$0x3FA4]  }
0x2a: {  	p0 =	seq.s32 s5, $0x0;
	s5 =	sld [smem:$0x3FA5]  }
0x2b: {  	s6 =	sld [smem:$0x3FA6]  }
0x2c: {  	s7 =	sld [smem:$0x3FA7]  }
0x2d: {  	s3 =	simm.s32 $0x108;
	s8 =	sld [smem:$0x3FA8]  }
0x2e: {  	s3 =	simm.s32 @!p0 $0x1082;
	s9 =	sld [smem:$0x3FA9]  }
0x2f: {  	lr =	sadd.s32 s0, s3;
	s0 =	sld [smem:$0x3FA0]  }
0x30: {  	s3 =	sld [smem:$0x3FA3]  }
0x31: {  	[smem:$0x3FAC] =	sst s10  }
0x32: {  	s10 =	sld [smem:$0x3FAA];
	_ =	sdelay $0x3  }
0x33: {  	p0 =	seq.s32 s10, $0x1;
	s10 =	sld [smem:$0x3FAC];
	_ =	sdelay $0x3  }
0x34: {  	[smem:$0x3FAC] =	sst s10  }
0x35: {  	s10 =	sld [smem:$0x3FAB];
	_ =	sdelay $0x3  }
0x36: {  	p1 =	seq.s32 s10, $0x1;
	s10 =	sld [smem:$0x3FAC];
	_ =	sdelay $0x3  }
0x37: {  	[smem:$0x3FAC] =	sst s10  }
0x38: {  	s10 =	sld [smem:$0x3FAD]  }
0x39: {  	_ = 	snop;
	(pc) =	sbr.ind lr, $3  }
0x3a: {  	_ = 	snop  }
0x3b: {  	_ = 	snop  }
0x3c: {  	p2 =	seq.s32 s10, $0x1;
	s10 =	sld [smem:$0x3FAC]  }
0x3d: {  	_ =	shalt  }
0x3e: {  	_ =	shalt  }
0x3f: {  	_ =	shalt  }
0x40: {  	_ =	shalt  }
0x41: {  	_ =	shalt  }
0x42: {  	_ =	shalt  }
0x43: {  	_ =	shalt  }
0x44: {  	_ =	shalt  }
0x45: {  	_ =	shalt  }
0x46: {  	_ =	shalt  }
0x47: {  	_ =	shalt  }
0x48: {  	_ =	shalt  }
0x49: {  	_ =	shalt  }
0x4a: {  	_ =	shalt  }
0x4b: {  	_ =	shalt  }
0x4c: {  	_ =	shalt  }
0x4d: {  	_ =	shalt  }
0x4e: {  	_ =	shalt  }
0x4f: {  	_ =	shalt  }
0x50: {  	_ =	shalt  }
0x51: {  	_ =	shalt  }
0x52: {  	_ =	shalt  }
0x53: {  	_ =	shalt  }
0x54: {  	_ =	shalt  }
0x55: {  	_ =	shalt  }
0x56: {  	_ =	shalt  }
0x57: {  	_ =	shalt  }
0x58: {  	_ =	shalt  }
0x59: {  	_ =	shalt  }
0x5a: {  	_ =	shalt  }
0x5b: {  	_ =	shalt  }
0x5c: {  	_ =	shalt  }
0x5d: {  	_ =	shalt  }
0x5e: {  	_ =	shalt  }
0x5f: {  	_ =	shalt  }
0x60: {  	_ =	shalt  }
0x61: {  	_ =	shalt  }
0x62: {  	_ =	shalt  }
0x63: {  	_ =	shalt  }
0x64: {  	_ =	shalt  }
0x65: {  	_ =	shalt  }
0x66: {  	_ =	shalt  }
0x67: {  	_ =	shalt  }
0x68: {  	_ =	shalt  }
0x69: {  	_ =	shalt  }
0x6a: {  	_ =	shalt  }
0x6b: {  	_ =	shalt  }
0x6c: {  	_ =	shalt  }
0x6d: {  	_ =	shalt  }
0x6e: {  	_ =	shalt  }
0x6f: {  	_ =	shalt  }
0x70: {  	_ =	shalt  }
0x71: {  	_ =	shalt  }
0x72: {  	_ =	shalt  }
0x73: {  	_ =	shalt  }
0x74: {  	_ =	shalt  }
0x75: {  	_ =	shalt  }
0x76: {  	_ =	shalt  }
0x77: {  	_ =	shalt  }
0x78: {  	_ =	shalt  }
0x79: {  	_ =	shalt  }
0x7a: {  	_ =	shalt  }
0x7b: {  	_ =	shalt  }
0x7c: {  	_ =	shalt  }
0x7d: {  	_ =	shalt  }
0x7e: {  	_ =	shalt  }
0x7f: {  	_ =	shalt  }
0x80: {  	_ =	shalt  }
0x81: {  	_ =	shalt  }
0x82: {  	_ =	shalt  }
0x83: {  	_ =	shalt  }
0x84: {  	_ =	shalt  }
0x85: {  	_ =	shalt  }
0x86: {  	_ =	shalt  }
0x87: {  	_ =	shalt  }
.Lfunc_end0:
.L_simem_size_0:
called_computation.3_lowered:
.L_overlay_start_0:
0x88: {  	s2 =	sld [smem:$0x3FD9]  }
0x89: {  	s3 =	sld [smem:$0x3FFE];
	_ =	sdelay $0x1  }
0x8a: {  	s1 =	srdreg.scid  }
0x8b: {  	s0 =	sand.u32 $0x1, s1  }
0x8c: {  	s16 =	sshll.u32 s0, $0xA;
	s2 =	sadd.s32 s3, s2  }
0x8d: {  	s2 =	sadd.s32 s2, s16  }
0x8e: {  	[smem:$0x3FB8] =	sst s2  }
0x8f: {  	_ = 	snop  }
0x90: {  	(tm) =	ssettm $0x1  }
0x91: {  	s17 =	sld [smem:$0x3FFB];
	_ =	sdelay $0x3  }
0x92: {  	_ =	strace s17  }
0x93: {  	s2 =	sld [smem:$0x3FFC];
	_ =	sdelay $0x3  }
0x94: {  	_ =	strace s2  }
0x95: {  	s2 =	sld [smem:$0x3FFD];
	_ =	sdelay $0x3  }
0x96: {  	_ =	strace s2  }
0x97: {  	_ =	strace $0x8FFFFFFF  }
0x98: {  	s18 =	sld [smem:$0x3FDB];
	_ =	sdelay $0x1  }
0x99: {  	s19 =	simm.s32 $_scs_section_size  }
0x9a: {  	s4 =	simm.s32 $_size__tile_overlayer_lowered;
	s5 =	simm.s32 $_tile_overlayer_lowered  }
0x9b: {  	s22 =	simm.s32 $0x1BFF;
	s21 =	sshll.u32 s5, $0x1;
	s2 =	sadd.s32 s19, s18  }
0x9c: {  	s6 =	simm.s32 $0x0;
	s20 =	sshll.u32 s4, $0x1;
	s4 =	sadd.s32 s21, s2  }
0x9d: {  	[timem:s6], [sflag:s22] =	dma.local [hbm:s4], s20  }
0x9e: {  	_ =	swait.ge [sflag:s22], s20  }
0x9f: {  	s3 =	ssub.s32 $0x0, s20;
	[sflag:s22] =	ssyncset.done $0x0  }
0xa0: {  	[sflag:s22] =	ssyncadd.s32 s3;
	_ =	sdelay $0x1  }
0xa1: {  	s23 =	simm.s32 $0x1B8B  }
0xa2: {  	_ =	swait.ge [sflag:s23], $0x1  }
0xa3: {  	[sflag:s23] =	ssyncset.done $0x0  }
0xa4: {  	s25 =	simm.s32 $0x1B8E;
	s24 =	sld [smem:$0x3FFE];
	[sflag:s23] =	ssyncadd.s32 $0xFFFFFFFF  }
0xa5: {  	s26 =	simm.s32 $execute0_lowered;
	[smem:$0x3FD2] =	sst s25  }
0xa6: {  	s4 =	sshll.u32 s26, $0x1;
	_ =	strace $0x8000004F;
	[dreg:$0x1] =	wrdreg $0xFFFFFFFF  }
0xa7: {  	s28 =	simm.s32 $_size_execute0_lowered;
	s2 =	sadd.s32 s2, s4;
	[dreg:$0x0] =	wrdreg $0x0  }
0xa8: {  	s4 =	sshll.u32 s28, $0x1;
	[dreg:$0x2] =	wrdreg s2  }
0xa9: {  	[dreg:$0x3] =	wrdreg s4  }
0xaa: {  	[dreg:$0x4] =	wrdreg $0xC0  }
0xab: {  	_ =	task [dreg:s6], $0x5FFFF  }
0xac: {  	[dreg:$0x1] =	wrdreg $0xFFFFFFFF  }
0xad: {  	[dreg:$0x0] =	wrdreg $0x60  }
0xae: {  	[dreg:$0x2] =	wrdreg s24  }
0xaf: {  	[dreg:$0x3] =	wrdreg $0x90000  }
0xb0: {  	[dreg:$0x4] =	wrdreg $0x9  }
0xb1: {  	_ =	task.clear_ibuf [dreg:s6], $0x5FFFF;
	_ =	strace $0x9000004F  }
0xb2: {  	s29 =	simm.s32 $0x9;
	_ =	strace $0x80000051  }
0xb3: {  	_ =	swait.ge [sflag:s29], $0x1  }
0xb4: {  	[sflag:s29] =	ssyncadd.s32 $0xFFFFFFFF  }
0xb5: {  	_ =	strace $0x90000051  }
0xb6: {  	_ =	sfence  }
0xb7: {  	s30 =	sld [smem:$0x0];
	_ =	sdelay $0x2  }
0xb8: {  	s31 =	sshll.u32 s1, $0xD;
	s1 =	sshrl.u32 s1, $0x2  }
0xb9: {  	s3 =	sand.u32 $0x4000, s31;
	s1 =	sadd.s32 s1, s30  }
0xba: {  	s0 =	sor.u32 s3, s0;
	s1 =	sshll.u32 s1, $0x11  }
0xbb: {  	s0 =	sor.u32 s1, s0  }
0xbc: {  	s0 =	sadd.s32 $0x8F2B, s0  }
0xbd: {  	[sflag:s0] =	ssyncadd.remote.s32 $0x1  }
0xbe: {  	_ =	sfence.sel $0xFFFF  }
0xbf: {  	[dreg:$0x0] =	wrdreg $0xFFFFFFFF;
	(pc) =	sbr.abs _section_cstart, $3  }
0xc0: {  	[dreg:$0x1] =	wrdreg $0xFFFFFFFF  }
0xc1: {  	_ =	task.clear_ibuf [dreg:s6], $0x2FFFF;
	_ =	strace $0x9FFFFFFF  }
0xc2: {  	(tm) =	ssettm $0x7FFFFFFF  }
0xc3: {  	_ =	shalt  }
tec
execute0_lowered:
.L_overlay_start_1:
0x0: {  	(tag) =	ssettag $0x1  }
0x1: {  	s0 =	srdreg.scid;
	s6 =	rddreg [dreg:$0x0]  }
0x2: {  	s2 =	rddreg [dreg:$0x1];
	s1 =	stileid.u32;
	s3 =	simm.s32 $0x0  }
0x3: {  	s13 =	simm.s32 $0x80;
	s14 =	simm.s32 $0x5000;
	s15 =	simm.s32 $0x1  }
0x4: {  	s5 =	sand.u32 $0x1, s0;
	s0 =	rddreg [dreg:$0x2];
	s10 =	smul.u32 $0x4F000, s1  }
0x5: {  	[smem:$0x7FF] =	sst s3;
	s31 =	sshll.u32 s1, $0x6;
	s17 =	smul.u32 $0x2780, s1  }
0x6: {  	s4 =	sshll.u32 s5, $0x4;
	_ =	strace $0x80000050;
	s8 =	smul.u32 $0x27800, s5  }
0x7: {  	s28 =	ssub.s32 $0x2, s5;
	s5 =	sadd.s32 $0xF800, s6;
	s4 =	sor.u32 s1, s4  }
0x8: {  	s29 =	sshrl.u32 s28, $0x1;
	s30 =	sshrl.u32 s10, $0x2;
	s7 =	smul.u32 $0x500, s4  }
0x9: {  	s4 =	sadd.s32 $0x23600, s6;
	s11 =	sadd.s32 s8, s6;
	s10 =	sadd.s32 s30, s2  }
0xa: {  	s12 =	ssub.s32 s28, s29;
	s16 =	sadd.s32 $0x4A800, s11;
	s10 =	sshrl.u32 s10, $0x3  }
0xb: {  	s11 =	simm.s32 $0x2;
	s9 =	sadd.s32 s7, s6;
	s6 =	sor.u32 $0x1C02, s31  }
0xc: {  	s16 =	sadd.s32 s17, s16;
	s17 =	simm.s32 $0x0;
	s7 =	sadd.s32 $0x19600, s9  }
0xd: {  	s8 =	sadd.s32 $0x5800, s9;
	s9 =	smax.u32 s12, $0x1;
	s12 =	simm.s32 $0x2800  }
.LBB2_1:
0xe: {  	[spmem:s10], [sflag:s6] =	dma.local [hbm:s5], $0x2780  }
0xf: {  	_ =	swait.ge [sflag:s11], $0x2780  }
0x10: {  	[sflag:s11] =	ssyncset.done $0x0  }
0x11: {  	[sflag:s11] =	ssyncadd.s32 $0xFFFFD880  }
0x12: {  	[tilespmem:s3], [sflag:$0x2] =	stream.linear.gather [hbm4b:s7+s3], $0x2780, $0x38;
	[tilespmem:$0x1CC00] =	vst v63  }
0x13: {  	_ =	swait.ge [sflag:s11], $0x2780  }
0x14: {  	[sflag:s11] =	ssyncset.done $0x0  }
0x15: {  	[sflag:s11] =	ssyncadd.s32 $0xFFFFD880  }
0x16: {  	[tilespmem:s12], [sflag:$0x2] =	stream.linear.gather [hbm4b:s8+s3], $0x2780, $0x38;
	[tilespmem:$0x1CC00] =	vst v63  }
0x17: {  	_ =	swait.ge [sflag:s11], $0x2780  }
0x18: {  	[sflag:s11] =	ssyncset.done $0x0  }
0x19: {  	[sflag:s11] =	ssyncadd.s32 $0xFFFFD880  }
0x1a: {  	s18 =	simm.s32 $0x0;
	[bflag:$0x0] =	sbarrier.arrive $0xFFFF  }
0x1b: {  	[tilespmem:s14], [sflag:$0x1] =	stream.indirect.gather [hbm4b:s4+s13], $0x80, s18, s13, $0xb8;
	[tilespmem:$0x1CC00] =	vst v63  }
0x1c: {  	_ =	swait.ge [sflag:s15], $0x4000  }
0x1d: {  	[sflag:s15] =	ssyncset.done $0x0  }
0x1e: {  	s31 =	simm.s32 $0x2800;
	[sflag:s15] =	ssyncadd.s32 $0xFFFFC000  }
0x1f: {  	[spmem:s2] =	stream.indirect.scatter.add.f32 [tilespmem:s14], [sflag:$0x2], $0x80, s31, s13, $0xb8;
	[tilespmem:$0x1CC00] =	vst v63  }
0x20: {  	_ =	swait.ge [sflag:s11], $0x4000  }
0x21: {  	s19 =	simm.s32 $0x400;
	s18 =	simm.s32 $0x200;
	[sflag:s11] =	ssyncset.done $0x0  }
.LBB2_2:
0x22: {  	s20 =	sshra.s32 s18, $0x2  }
0x23: {  	[sflag:s11] =	ssyncadd.s32 $0xFFFFC000;
	s18 =	smov.u32 s19;
	s21 =	sadd.s32 $0x200, s19  }
0x24: {  	[tilespmem:s14], [sflag:$0x1] =	stream.indirect.gather [hbm4b:s4+s13], $0x80, s20, s13, $0xb8;
	[tilespmem:$0x1CC00] =	vst v63  }
0x25: {  	p0 =	sne.s32 s19, $0x9C00;
	_ =	swait.ge [sflag:s15], $0x4000  }
.Ltmp0:
0x26: {  	[sflag:s15] =	ssyncset.done $0x0;
	(pc) =	sbr.rel @p0 .LBB2_2-.Ltmp0, $4  }
0x27: {  	s19 =	sadd.s32 $0x2800, s20;
	[sflag:s15] =	ssyncadd.s32 $0xFFFFC000  }
0x28: {  	[spmem:s2] =	stream.indirect.scatter.add.f32 [tilespmem:s14], [sflag:$0x2], $0x80, s19, s13, $0xb8;
	[tilespmem:$0x1CC00] =	vst v63  }
0x29: {  	_ =	swait.ge [sflag:s11], $0x4000  }
0x2a: {  	s19 =	smov.u32 s21;
	[sflag:s11] =	ssyncset.done $0x0  }
0x2b: {  	s18 =	sshra.s32 s18, $0x2;
	[sflag:s11] =	ssyncadd.s32 $0xFFFFC000  }
0x2c: {  	[tilespmem:s14], [sflag:$0x1] =	stream.indirect.gather [hbm4b:s4+s13], $0x80, s18, s13, $0xb8;
	[tilespmem:$0x1CC00] =	vst v63  }
0x2d: {  	_ =	swait.ge [sflag:s15], $0x4000  }
0x2e: {  	[sflag:s15] =	ssyncset.done $0x0  }
0x2f: {  	s18 =	sadd.s32 $0x2800, s18;
	[sflag:s15] =	ssyncadd.s32 $0xFFFFC000  }
0x30: {  	[spmem:s2] =	stream.indirect.scatter.add.f32 [tilespmem:s14], [sflag:$0x2], $0x80, s18, s13, $0xb8;
	[tilespmem:$0x1CC00] =	vst v63  }
0x31: {  	_ =	swait.ge [sflag:s11], $0x4000  }
0x32: {  	s17 =	sadd.s32 $0x1, s17;
	[sflag:s11] =	ssyncset.done $0x0  }
0x33: {  	p0 =	sne.s32 s17, s9;
	[sflag:s11] =	ssyncadd.s32 $0xFFFFC000  }
.Ltmp1:
0x34: {  	[bflag:$0x0] =	sbarrier.arrive $0xFFFF;
	(pc) =	sbr.rel @p0 .LBB2_1-.Ltmp1, $4  }
0x35: {  	[hbm:s16], [sflag:s6] =	dma.local [spmem:s10], $0x2780  }
0x36: {  	_ =	swait.ge [sflag:s11], $0x2780  }
0x37: {  	[sflag:s11] =	ssyncset.done $0x0  }
0x38: {  	[sflag:s11] =	ssyncadd.s32 $0xFFFFD880  }
0x39: {  	_ =	sfence.sel $0x180000  }
0x3a: {  	[bflag:$0x0] =	sbarrier.arrive $0xFFFF  }
0x3b: {  	p0 =	sne.s32 s1, $0x0;
	_ =	strace $0x90000050  }
0x3c: {  	s0 =	sadd.s32 @!p0 $0x100000, s0;
	[bflag:$0x2] =	sbarrier.arrive $0xFFFF  }
0x3d: {  	[sflag:s0] =	ssyncadd.tile.s32 @!p0 $0x1;
	_ =	shalt  }
.Lfunc_end2:
_tile_overlayer_lowered:
.L_overlay_start_2:
0x3e: {  	(tag) =	ssettag $0x2  }
0x3f: {  	s0 =	rddreg [dreg:$0x0];
	s2 =	stileid.u32  }
0x40: {  	s1 =	rddreg [dreg:$0x1];
	p0 =	sne.s32 s2, $0x0  }
0x41: {  	s3 =	rddreg [dreg:$0x2];
	[bflag:$0x3] =	sbarrier.arrive $0xFFFF;
	s2 =	simm.s32 @!p0 $0x1C02  }
0x42: {  	[timem:s3], [sflag:s2] =	dma.local @!p0 [hbm:s0], s1  }
0x43: {  	s0 =	simm.s32 @!p0 $0x2  }
0x44: {  	_ =	swait.ge @!p0 [sflag:s0], s1  }
0x45: {  	s1 =	ssub.s32 @!p0 $0x0, s1;
	[sflag:s0] =	ssyncset.done @!p0 $0x0  }
0x46: {  	[sflag:s0] =	ssyncadd.s32 @!p0 s1  }
0x47: {  	[bflag:$0x3] =	sbarrier.arrive $0xFFFF  }
0x48: {  	_ =	shalt  }

</sc_bundles>
